<compile_context>
chip_gen: v7x
topology: tpu7x:2x2x1
jax: 0.10.2.dev20260603
libtpu: 0.0.44.dev20260713+nightly
codegen_flags: <defaults>
</compile_context>

<pallas_src>
import functools

import jax
import jax.numpy as jnp
from jax import lax
from jax.experimental import pallas as pl
from jax.experimental.pallas import tpu as pltpu
from jax.experimental.pallas import tpu_sc as plsc

NC = 2
NS = 16
CH = 128
NB = 3
QR = 6
UN = 6


def _sc_partials(x, eidx):
    N, D = x.shape
    nchk = eidx.shape[1] // CH
    NW = NC * NS
    NL = nchk // NW
    extra = nchk - NL * NW
    assert extra < NW and NL > QR
    rpt = (N // NS) // 8 * 8
    rem = N - NS * rpt
    assert rem % 8 == 0 and rem >= 0

    mesh = plsc.VectorSubcoreMesh(core_axis_name="c", subcore_axis_name="s")

    @functools.partial(
        pl.kernel,
        out_type=jax.ShapeDtypeStruct((NC * N, D), jnp.float32),
        mesh=mesh,
        scratch_types=[
            [pltpu.VMEM((2, CH), jnp.int32) for _ in range(QR)],
            pltpu.VMEM((NB * CH, D), jnp.float32),
            pltpu.VMEM_SHARED((N, D), jnp.float32),
            [pltpu.SemaphoreType.DMA for _ in range(NB)],
            [pltpu.SemaphoreType.DMA for _ in range(QR)],
            [pltpu.SemaphoreType.DMA for _ in range(NB)],
            pltpu.SemaphoreType.DMA,
        ],
    )
    def sc_kernel(x_hbm, eidx_hbm, out_hbm,
                  sidx, rows_all, acc, gsems, isems, ssems, nsem):
        rows = [rows_all.at[pl.ds(b * CH, CH)] for b in range(NB)]
        cid = lax.axis_index("c")
        sid = lax.axis_index("s")
        wid = sid * NC + cid
        cbase = wid * NL
        rbase = sid * rpt

        pltpu.async_copy(x_hbm.at[pl.ds(rbase, rpt)],
                         acc.at[pl.ds(rbase, rpt)], nsem)
        if rem:
            @pl.when(sid == NS - 1)
            def _():
                pltpu.async_copy(x_hbm.at[pl.ds(NS * rpt, rem)],
                                 acc.at[pl.ds(NS * rpt, rem)], nsem)

        def drain(sem, buf_ref):
            pltpu.make_async_copy(x_hbm.at[pl.ds(0, CH)], buf_ref, sem).wait()

        def drain_idx(q):
            pltpu.make_async_copy(eidx_hbm.at[pl.ds(0, 2), pl.ds(0, CH)],
                                  sidx[q], isems[q]).wait()

        def fire_idx(j, q):
            pltpu.async_copy(
                eidx_hbm.at[pl.ds(0, 2), pl.ds((cbase + j) * CH, CH)],
                sidx[q], isems[q])

        def fire_gather(b, q):
            pltpu.async_copy(x_hbm.at[sidx[q].at[0]], rows[b], gsems[b])

        for q in range(QR):
            fire_idx(q, q)
        for b in range(NB):
            drain_idx(b)
            fire_gather(b, b)

        pltpu.make_async_copy(x_hbm.at[pl.ds(0, rpt)],
                              acc.at[pl.ds(0, rpt)], nsem).wait()
        if rem:
            @pl.when(sid == NS - 1)
            def _():
                pltpu.make_async_copy(x_hbm.at[pl.ds(0, rem)],
                                      acc.at[pl.ds(0, rem)], nsem).wait()
        plsc.subcore_barrier()

        def step(i, b, q, do_fidx, do_fg):
            drain(gsems[b], rows[b])
            pltpu.async_copy(rows[b], acc.at[sidx[q].at[1]], ssems[b],
                             add=True)
            if do_fidx:
                fire_idx(i + QR, q)
            if do_fg:
                drain_idx((q + NB) % QR)
                drain(ssems[b], rows[b])
                fire_gather(b, (q + NB) % QR)
            else:
                drain(ssems[b], rows[b])

        n_grp = (NL - QR) // UN
        n_peeled = n_grp * UN

        def outer(g, carry):
            for u in range(UN):
                step(g * UN + u, u % NB, u % QR, True, True)
            return carry

        lax.fori_loop(0, n_grp, outer, 0)

        for i in range(n_peeled, NL):
            step(i, i % NB, i % QR, i + QR < NL, i + NB < NL)

        if extra:
            @pl.when(wid < extra)
            def _():
                jj = nchk - extra + wid
                pltpu.sync_copy(
                    eidx_hbm.at[pl.ds(0, 2), pl.ds(jj * CH, CH)], sidx[0])
                pltpu.async_copy(x_hbm.at[sidx[0].at[0]], rows[0],
                                 gsems[0]).wait()
                pltpu.sync_copy(rows[0], acc.at[sidx[0].at[1]], add=True)

        plsc.subcore_barrier()

        pltpu.sync_copy(acc.at[pl.ds(rbase, rpt)],
                        out_hbm.at[pl.ds(cid * N + rbase, rpt)])
        if rem:
            @pl.when(sid == NS - 1)
            def _():
                pltpu.sync_copy(acc.at[pl.ds(NS * rpt, rem)],
                                out_hbm.at[pl.ds(cid * N + NS * rpt, rem)])

    return sc_kernel(x, eidx)


def _combine(partials, x):
    N, D = x.shape
    br = 5000
    grid = N // br
    assert br * grid == N

    def body(p0_ref, p1_ref, x_ref, o_ref):
        o_ref[...] = p0_ref[...] + p1_ref[...] - x_ref[...]

    return pl.pallas_call(
        body,
        grid=(grid,),
        in_specs=[
            pl.BlockSpec((br, D), lambda i: (i, 0)),
            pl.BlockSpec((br, D), lambda i: (i + grid, 0)),
            pl.BlockSpec((br, D), lambda i: (i, 0)),
        ],
        out_specs=pl.BlockSpec((br, D), lambda i: (i, 0)),
        out_shape=jax.ShapeDtypeStruct((N, D), jnp.float32),
    )(partials, partials, x)


def kernel(x, edge_index):
    E = edge_index.shape[1]
    assert E % CH == 0
    partials = _sc_partials(x, edge_index)
    return _combine(partials, x)

# --- scband reference (transcript-rebuilt; emitter-appended) ---
"""Pipeline reference for scband-message-passing-base-82764019794210 (READ-ONLY COPY).

The authoritative reference and input builder live on the scoring server;
editing this copy changes nothing except your own understanding.
"""

import jax, jax.numpy as jnp
import numpy as np

N_NODES = 10000
N_EDGES = 320000
D_FEAT = 128


def setup_inputs(seed: int = 0) -> dict:
    key = jax.random.key(seed)
    k1, k2 = jax.random.split(key)
    x = jax.random.normal(k1, (N_NODES, D_FEAT), dtype=jnp.float32)
    edge_index = jax.random.randint(k2, (2, N_EDGES), 0, N_NODES, dtype=jnp.int64 if jax.config.jax_enable_x64 else jnp.int32).astype(jnp.int32)
    return {"x": x, "edge_index": edge_index}


def reference(x, edge_index):
    # MessagePassingBase.forward:
    #   update = message_and_aggregate(graph, input)
    #   return combine(input, update)
    # Canonical concretization:
    #   message:   gather source node features along each edge
    #   aggregate: scatter-add messages onto destination nodes
    #   combine:   residual addition of input and update
    src = edge_index[0]
    dst = edge_index[1]
    # message: [E, d]
    message = jnp.take(x, src, axis=0)
    # aggregate: scatter-add to nodes -> [N, d]
    update = jax.ops.segment_sum(message, dst, num_segments=x.shape[0])
    # combine
    out = x + update
    return out

if __name__ == "__main__":
    import jax
    _d = setup_inputs()
    print(jax.jit(kernel)(*tuple(_d.values())))

</pallas_src>

<mosaic_0001>
#map = affine_map<(d0, d1) -> (0, 0)>
module attributes {stable_mosaic.version = 14 : i64} {
  func.func @sc_kernel(%arg0: i32, %arg1: i32, %arg2: memref<10000x128xf32, #tpu.memory_space<hbm>>, %arg3: memref<2x320000xi32, #tpu.memory_space<hbm>>, %arg4: memref<20000x128xf32, #tpu.memory_space<hbm>>, %arg5: memref<2x128xi32, #tpu.memory_space<vmem>>, %arg6: memref<2x128xi32, #tpu.memory_space<vmem>>, %arg7: memref<2x128xi32, #tpu.memory_space<vmem>>, %arg8: memref<2x128xi32, #tpu.memory_space<vmem>>, %arg9: memref<2x128xi32, #tpu.memory_space<vmem>>, %arg10: memref<2x128xi32, #tpu.memory_space<vmem>>, %arg11: memref<384x128xf32, #tpu.memory_space<vmem>>, %arg12: memref<10000x128xf32, #tpu.memory_space<vmem_shared>>, %arg13: memref<!tpu.dma_semaphore, #tpu.memory_space<semaphore_mem>>, %arg14: memref<!tpu.dma_semaphore, #tpu.memory_space<semaphore_mem>>, %arg15: memref<!tpu.dma_semaphore, #tpu.memory_space<semaphore_mem>>, %arg16: memref<!tpu.dma_semaphore, #tpu.memory_space<semaphore_mem>>, %arg17: memref<!tpu.dma_semaphore, #tpu.memory_space<semaphore_mem>>, %arg18: memref<!tpu.dma_semaphore, #tpu.memory_space<semaphore_mem>>, %arg19: memref<!tpu.dma_semaphore, #tpu.memory_space<semaphore_mem>>, %arg20: memref<!tpu.dma_semaphore, #tpu.memory_space<semaphore_mem>>, %arg21: memref<!tpu.dma_semaphore, #tpu.memory_space<semaphore_mem>>, %arg22: memref<!tpu.dma_semaphore, #tpu.memory_space<semaphore_mem>>, %arg23: memref<!tpu.dma_semaphore, #tpu.memory_space<semaphore_mem>>, %arg24: memref<!tpu.dma_semaphore, #tpu.memory_space<semaphore_mem>>, %arg25: memref<!tpu.dma_semaphore, #tpu.memory_space<semaphore_mem>>) attributes {dimension_semantics = [#tpu.dimension_semantics<core_parallel>, #tpu.dimension_semantics<subcore_parallel>], iteration_bounds = array<i64: 2, 16>, scalar_prefetch = 0 : i64, scratch_operands = 21 : i64, tpu.core_type = #tpu.core_type<sc_vector_subcore>, window_params = [{transform_indices = #map}, {transform_indices = #map}, {transform_indices = #map}]} {
    %mul3A = arith.constant 2 : i32
    %mul3A_0 = arith.muli %arg1, %mul3A : i32
    %add3A = arith.addi %mul3A_0, %arg0 : i32
    %mul3A_1 = arith.constant 78 : i32
    %mul3A_2 = arith.muli %add3A, %mul3A_1 : i32
    %mul3A_3 = arith.constant 624 : i32
    %mul3A_4 = arith.muli %arg1, %mul3A_3 : i32
    %dma_start3A = arith.constant 0 : i32
    %dma_start3A_5 = tpu.memref_slice %arg12[%mul3A_4, %dma_start3A] : memref<10000x128xf32, #tpu.memory_space<vmem_shared>> -> memref<624x128xf32, #tpu.memory_space<vmem_shared>>
    %dma_start3A_6 = arith.constant 0 : i32
    %dma_start3A_7 = tpu.memref_slice %arg2[%mul3A_4, %dma_start3A_6] : memref<10000x128xf32, #tpu.memory_space<hbm>> -> memref<624x128xf32, #tpu.memory_space<hbm>>
    tpu.enqueue_dma source(%dma_start3A_7 : memref<624x128xf32, #tpu.memory_space<hbm>>) target(%dma_start3A_5 : memref<624x128xf32, #tpu.memory_space<vmem_shared>>) target_semaphore(%arg25 : memref<!tpu.dma_semaphore, #tpu.memory_space<semaphore_mem>>)
    %eq3A = arith.constant 15 : i32
    %eq3A_8 = arith.cmpi eq, %arg1, %eq3A : i32
    %convert_element_type3A = arith.extui %eq3A_8 : i1 to i32
    %cond3A = arith.constant 0 : i32
    %cond3A_9 = arith.cmpi ne, %convert_element_type3A, %cond3A : i32
    scf.if %cond3A_9 {
      %dma_start3A_386 = arith.constant 9984 : i32
      %dma_start3A_387 = arith.constant 0 : i32
      %dma_start3A_388 = tpu.memref_slice %arg12[%dma_start3A_386, %dma_start3A_387] : memref<10000x128xf32, #tpu.memory_space<vmem_shared>> -> memref<16x128xf32, #tpu.memory_space<vmem_shared>>
      %dma_start3A_389 = arith.constant 9984 : i32
      %dma_start3A_390 = arith.constant 0 : i32
      %dma_start3A_391 = tpu.memref_slice %arg2[%dma_start3A_389, %dma_start3A_390] : memref<10000x128xf32, #tpu.memory_space<hbm>> -> memref<16x128xf32, #tpu.memory_space<hbm>>
      tpu.enqueue_dma source(%dma_start3A_391 : memref<16x128xf32, #tpu.memory_space<hbm>>) target(%dma_start3A_388 : memref<16x128xf32, #tpu.memory_space<vmem_shared>>) target_semaphore(%arg25 : memref<!tpu.dma_semaphore, #tpu.memory_space<semaphore_mem>>)
    } else {
    }
    %add3A_10 = arith.constant 0 : i32
    %add3A_11 = arith.addi %mul3A_2, %add3A_10 : i32
    %mul3A_12 = arith.constant 128 : i32
    %mul3A_13 = arith.muli %add3A_11, %mul3A_12 : i32
    %dma_start3A_14 = arith.constant 0 : i32
    %dma_start3A_15 = tpu.memref_slice %arg3[%dma_start3A_14, %mul3A_13] : memref<2x320000xi32, #tpu.memory_space<hbm>> -> memref<2x128xi32, #tpu.memory_space<hbm>>
    %dma_start3A_16 = arith.constant 0 : i32
    %dma_start3A_17 = tpu.memref_slice %arg3[%dma_start3A_16, %mul3A_13] : memref<2x320000xi32, #tpu.memory_space<hbm>> -> memref<2x128xi32, #tpu.memory_space<hbm>>
    tpu.enqueue_dma source(%dma_start3A_17 : memref<2x128xi32, #tpu.memory_space<hbm>>) target(%arg5 : memref<2x128xi32, #tpu.memory_space<vmem>>) target_semaphore(%arg16 : memref<!tpu.dma_semaphore, #tpu.memory_space<semaphore_mem>>)
    %add3A_18 = arith.constant 1 : i32
    %add3A_19 = arith.addi %mul3A_2, %add3A_18 : i32
    %mul3A_20 = arith.constant 128 : i32
    %mul3A_21 = arith.muli %add3A_19, %mul3A_20 : i32
    %dma_start3A_22 = arith.constant 0 : i32
    %dma_start3A_23 = tpu.memref_slice %arg3[%dma_start3A_22, %mul3A_21] : memref<2x320000xi32, #tpu.memory_space<hbm>> -> memref<2x128xi32, #tpu.memory_space<hbm>>
    %dma_start3A_24 = arith.constant 0 : i32
    %dma_start3A_25 = tpu.memref_slice %arg3[%dma_start3A_24, %mul3A_21] : memref<2x320000xi32, #tpu.memory_space<hbm>> -> memref<2x128xi32, #tpu.memory_space<hbm>>
    tpu.enqueue_dma source(%dma_start3A_25 : memref<2x128xi32, #tpu.memory_space<hbm>>) target(%arg6 : memref<2x128xi32, #tpu.memory_space<vmem>>) target_semaphore(%arg17 : memref<!tpu.dma_semaphore, #tpu.memory_space<semaphore_mem>>)
    %add3A_26 = arith.constant 2 : i32
    %add3A_27 = arith.addi %mul3A_2, %add3A_26 : i32
    %mul3A_28 = arith.constant 128 : i32
    %mul3A_29 = arith.muli %add3A_27, %mul3A_28 : i32
    %dma_start3A_30 = arith.constant 0 : i32
    %dma_start3A_31 = tpu.memref_slice %arg3[%dma_start3A_30, %mul3A_29] : memref<2x320000xi32, #tpu.memory_space<hbm>> -> memref<2x128xi32, #tpu.memory_space<hbm>>
    %dma_start3A_32 = arith.constant 0 : i32
    %dma_start3A_33 = tpu.memref_slice %arg3[%dma_start3A_32, %mul3A_29] : memref<2x320000xi32, #tpu.memory_space<hbm>> -> memref<2x128xi32, #tpu.memory_space<hbm>>
    tpu.enqueue_dma source(%dma_start3A_33 : memref<2x128xi32, #tpu.memory_space<hbm>>) target(%arg7 : memref<2x128xi32, #tpu.memory_space<vmem>>) target_semaphore(%arg18 : memref<!tpu.dma_semaphore, #tpu.memory_space<semaphore_mem>>)
    %add3A_34 = arith.constant 3 : i32
    %add3A_35 = arith.addi %mul3A_2, %add3A_34 : i32
    %mul3A_36 = arith.constant 128 : i32
    %mul3A_37 = arith.muli %add3A_35, %mul3A_36 : i32
    %dma_start3A_38 = arith.constant 0 : i32
    %dma_start3A_39 = tpu.memref_slice %arg3[%dma_start3A_38, %mul3A_37] : memref<2x320000xi32, #tpu.memory_space<hbm>> -> memref<2x128xi32, #tpu.memory_space<hbm>>
    %dma_start3A_40 = arith.constant 0 : i32
    %dma_start3A_41 = tpu.memref_slice %arg3[%dma_start3A_40, %mul3A_37] : memref<2x320000xi32, #tpu.memory_space<hbm>> -> memref<2x128xi32, #tpu.memory_space<hbm>>
    tpu.enqueue_dma source(%dma_start3A_41 : memref<2x128xi32, #tpu.memory_space<hbm>>) target(%arg8 : memref<2x128xi32, #tpu.memory_space<vmem>>) target_semaphore(%arg19 : memref<!tpu.dma_semaphore, #tpu.memory_space<semaphore_mem>>)
    %add3A_42 = arith.constant 4 : i32
    %add3A_43 = arith.addi %mul3A_2, %add3A_42 : i32
    %mul3A_44 = arith.constant 128 : i32
    %mul3A_45 = arith.muli %add3A_43, %mul3A_44 : i32
    %dma_start3A_46 = arith.constant 0 : i32
    %dma_start3A_47 = tpu.memref_slice %arg3[%dma_start3A_46, %mul3A_45] : memref<2x320000xi32, #tpu.memory_space<hbm>> -> memref<2x128xi32, #tpu.memory_space<hbm>>
    %dma_start3A_48 = arith.constant 0 : i32
    %dma_start3A_49 = tpu.memref_slice %arg3[%dma_start3A_48, %mul3A_45] : memref<2x320000xi32, #tpu.memory_space<hbm>> -> memref<2x128xi32, #tpu.memory_space<hbm>>
    tpu.enqueue_dma source(%dma_start3A_49 : memref<2x128xi32, #tpu.memory_space<hbm>>) target(%arg9 : memref<2x128xi32, #tpu.memory_space<vmem>>) target_semaphore(%arg20 : memref<!tpu.dma_semaphore, #tpu.memory_space<semaphore_mem>>)
    %add3A_50 = arith.constant 5 : i32
    %add3A_51 = arith.addi %mul3A_2, %add3A_50 : i32
    %mul3A_52 = arith.constant 128 : i32
    %mul3A_53 = arith.muli %add3A_51, %mul3A_52 : i32
    %dma_start3A_54 = arith.constant 0 : i32
    %dma_start3A_55 = tpu.memref_slice %arg3[%dma_start3A_54, %mul3A_53] : memref<2x320000xi32, #tpu.memory_space<hbm>> -> memref<2x128xi32, #tpu.memory_space<hbm>>
    %dma_start3A_56 = arith.constant 0 : i32
    %dma_start3A_57 = tpu.memref_slice %arg3[%dma_start3A_56, %mul3A_53] : memref<2x320000xi32, #tpu.memory_space<hbm>> -> memref<2x128xi32, #tpu.memory_space<hbm>>
    tpu.enqueue_dma source(%dma_start3A_57 : memref<2x128xi32, #tpu.memory_space<hbm>>) target(%arg10 : memref<2x128xi32, #tpu.memory_space<vmem>>) target_semaphore(%arg21 : memref<!tpu.dma_semaphore, #tpu.memory_space<semaphore_mem>>)
    %dma_wait3A = arith.constant 0 : i32
    %dma_wait3A_58 = arith.constant 0 : i32
    %dma_wait3A_59 = tpu.memref_slice %arg3[%dma_wait3A, %dma_wait3A_58] : memref<2x320000xi32, #tpu.memory_space<hbm>> -> memref<2x128xi32, #tpu.memory_space<hbm>>
    %dma_wait3A_60 = arith.constant 0 : i32
    %dma_wait3A_61 = arith.constant 0 : i32
    %dma_wait3A_62 = tpu.memref_slice %arg3[%dma_wait3A_60, %dma_wait3A_61] : memref<2x320000xi32, #tpu.memory_space<hbm>> -> memref<2x128xi32, #tpu.memory_space<hbm>>
    tpu.wait_dma2 semaphore(%arg16 : memref<!tpu.dma_semaphore, #tpu.memory_space<semaphore_mem>>) src(%dma_wait3A_62 : memref<2x128xi32, #tpu.memory_space<hbm>>) dst(%arg5 : memref<2x128xi32, #tpu.memory_space<vmem>>)
    %dma_start3A_63 = arith.constant 0 : i32
    %dma_start3A_64 = arith.constant 0 : i32
    %dma_start3A_65 = arith.constant 0 : i32
    %dma_start3A_66 = tpu.memref_slice %arg11[%dma_start3A_64, %dma_start3A_65] : memref<384x128xf32, #tpu.memory_space<vmem>> -> memref<128x128xf32, #tpu.memory_space<vmem>>
    %dma_start3A_67 = arith.constant 0 : i32
    %dma_start3A_68 = tpu.memref_slice %arg5[%dma_start3A_63, %dma_start3A_67] : memref<2x128xi32, #tpu.memory_space<vmem>> -> memref<1x128xi32, #tpu.memory_space<vmem>>
    %dma_start3A_69 = tpu.memref_squeeze %dma_start3A_68 : memref<1x128xi32, #tpu.memory_space<vmem>> -> memref<128xi32, #tpu.memory_space<vmem>>
    %dma_start3A_70 = arith.constant 0 : i32
    %dma_start3A_71 = arith.constant 0 : i32
    %dma_start3A_72 = tpu.memref_slice %arg2[%dma_start3A_70, %dma_start3A_71] : memref<10000x128xf32, #tpu.memory_space<hbm>> -> memref<10000x128xf32, #tpu.memory_space<hbm>>
    tpu.enqueue_indirect_dma source(%dma_start3A_72 : memref<10000x128xf32, #tpu.memory_space<hbm>>) target(%dma_start3A_66 : memref<128x128xf32, #tpu.memory_space<vmem>>) offsets(%dma_start3A_69 : memref<128xi32, #tpu.memory_space<vmem>>) semaphore(%arg13 : memref<!tpu.dma_semaphore, #tpu.memory_space<semaphore_mem>>)
    %dma_wait3A_73 = arith.constant 0 : i32
    %dma_wait3A_74 = arith.constant 0 : i32
    %dma_wait3A_75 = tpu.memref_slice %arg3[%dma_wait3A_73, %dma_wait3A_74] : memref<2x320000xi32, #tpu.memory_space<hbm>> -> memref<2x128xi32, #tpu.memory_space<hbm>>
    %dma_wait3A_76 = arith.constant 0 : i32
    %dma_wait3A_77 = arith.constant 0 : i32
    %dma_wait3A_78 = tpu.memref_slice %arg3[%dma_wait3A_76, %dma_wait3A_77] : memref<2x320000xi32, #tpu.memory_space<hbm>> -> memref<2x128xi32, #tpu.memory_space<hbm>>
    tpu.wait_dma2 semaphore(%arg17 : memref<!tpu.dma_semaphore, #tpu.memory_space<semaphore_mem>>) src(%dma_wait3A_78 : memref<2x128xi32, #tpu.memory_space<hbm>>) dst(%arg6 : memref<2x128xi32, #tpu.memory_space<vmem>>)
    %dma_start3A_79 = arith.constant 0 : i32
    %dma_start3A_80 = arith.constant 128 : i32
    %dma_start3A_81 = arith.constant 0 : i32
    %dma_start3A_82 = tpu.memref_slice %arg11[%dma_start3A_80, %dma_start3A_81] : memref<384x128xf32, #tpu.memory_space<vmem>> -> memref<128x128xf32, #tpu.memory_space<vmem>>
    %dma_start3A_83 = arith.constant 0 : i32
    %dma_start3A_84 = tpu.memref_slice %arg6[%dma_start3A_79, %dma_start3A_83] : memref<2x128xi32, #tpu.memory_space<vmem>> -> memref<1x128xi32, #tpu.memory_space<vmem>>
    %dma_start3A_85 = tpu.memref_squeeze %dma_start3A_84 : memref<1x128xi32, #tpu.memory_space<vmem>> -> memref<128xi32, #tpu.memory_space<vmem>>
    %dma_start3A_86 = arith.constant 0 : i32
    %dma_start3A_87 = arith.constant 0 : i32
    %dma_start3A_88 = tpu.memref_slice %arg2[%dma_start3A_86, %dma_start3A_87] : memref<10000x128xf32, #tpu.memory_space<hbm>> -> memref<10000x128xf32, #tpu.memory_space<hbm>>
    tpu.enqueue_indirect_dma source(%dma_start3A_88 : memref<10000x128xf32, #tpu.memory_space<hbm>>) target(%dma_start3A_82 : memref<128x128xf32, #tpu.memory_space<vmem>>) offsets(%dma_start3A_85 : memref<128xi32, #tpu.memory_space<vmem>>) semaphore(%arg14 : memref<!tpu.dma_semaphore, #tpu.memory_space<semaphore_mem>>)
    %dma_wait3A_89 = arith.constant 0 : i32
    %dma_wait3A_90 = arith.constant 0 : i32
    %dma_wait3A_91 = tpu.memref_slice %arg3[%dma_wait3A_89, %dma_wait3A_90] : memref<2x320000xi32, #tpu.memory_space<hbm>> -> memref<2x128xi32, #tpu.memory_space<hbm>>
    %dma_wait3A_92 = arith.constant 0 : i32
    %dma_wait3A_93 = arith.constant 0 : i32
    %dma_wait3A_94 = tpu.memref_slice %arg3[%dma_wait3A_92, %dma_wait3A_93] : memref<2x320000xi32, #tpu.memory_space<hbm>> -> memref<2x128xi32, #tpu.memory_space<hbm>>
    tpu.wait_dma2 semaphore(%arg18 : memref<!tpu.dma_semaphore, #tpu.memory_space<semaphore_mem>>) src(%dma_wait3A_94 : memref<2x128xi32, #tpu.memory_space<hbm>>) dst(%arg7 : memref<2x128xi32, #tpu.memory_space<vmem>>)
    %dma_start3A_95 = arith.constant 0 : i32
    %dma_start3A_96 = arith.constant 256 : i32
    %dma_start3A_97 = arith.constant 0 : i32
    %dma_start3A_98 = tpu.memref_slice %arg11[%dma_start3A_96, %dma_start3A_97] : memref<384x128xf32, #tpu.memory_space<vmem>> -> memref<128x128xf32, #tpu.memory_space<vmem>>
    %dma_start3A_99 = arith.constant 0 : i32
    %dma_start3A_100 = tpu.memref_slice %arg7[%dma_start3A_95, %dma_start3A_99] : memref<2x128xi32, #tpu.memory_space<vmem>> -> memref<1x128xi32, #tpu.memory_space<vmem>>
    %dma_start3A_101 = tpu.memref_squeeze %dma_start3A_100 : memref<1x128xi32, #tpu.memory_space<vmem>> -> memref<128xi32, #tpu.memory_space<vmem>>
    %dma_start3A_102 = arith.constant 0 : i32
    %dma_start3A_103 = arith.constant 0 : i32
    %dma_start3A_104 = tpu.memref_slice %arg2[%dma_start3A_102, %dma_start3A_103] : memref<10000x128xf32, #tpu.memory_space<hbm>> -> memref<10000x128xf32, #tpu.memory_space<hbm>>
    tpu.enqueue_indirect_dma source(%dma_start3A_104 : memref<10000x128xf32, #tpu.memory_space<hbm>>) target(%dma_start3A_98 : memref<128x128xf32, #tpu.memory_space<vmem>>) offsets(%dma_start3A_101 : memref<128xi32, #tpu.memory_space<vmem>>) semaphore(%arg15 : memref<!tpu.dma_semaphore, #tpu.memory_space<semaphore_mem>>)
    %dma_wait3A_105 = arith.constant 0 : i32
    %dma_wait3A_106 = arith.constant 0 : i32
    %dma_wait3A_107 = tpu.memref_slice %arg12[%dma_wait3A_105, %dma_wait3A_106] : memref<10000x128xf32, #tpu.memory_space<vmem_shared>> -> memref<624x128xf32, #tpu.memory_space<vmem_shared>>
    %dma_wait3A_108 = arith.constant 0 : i32
    %dma_wait3A_109 = arith.constant 0 : i32
    %dma_wait3A_110 = tpu.memref_slice %arg2[%dma_wait3A_108, %dma_wait3A_109] : memref<10000x128xf32, #tpu.memory_space<hbm>> -> memref<624x128xf32, #tpu.memory_space<hbm>>
    tpu.wait_dma2 semaphore(%arg25 : memref<!tpu.dma_semaphore, #tpu.memory_space<semaphore_mem>>) src(%dma_wait3A_110 : memref<624x128xf32, #tpu.memory_space<hbm>>) dst(%dma_wait3A_107 : memref<624x128xf32, #tpu.memory_space<vmem_shared>>)
    %eq3A_111 = arith.constant 15 : i32
    %eq3A_112 = arith.cmpi eq, %arg1, %eq3A_111 : i32
    %convert_element_type3A_113 = arith.extui %eq3A_112 : i1 to i32
    %cond3A_114 = arith.constant 0 : i32
    %cond3A_115 = arith.cmpi ne, %convert_element_type3A_113, %cond3A_114 : i32
    scf.if %cond3A_115 {
      %dma_wait3A_386 = arith.constant 0 : i32
      %dma_wait3A_387 = arith.constant 0 : i32
      %dma_wait3A_388 = tpu.memref_slice %arg12[%dma_wait3A_386, %dma_wait3A_387] : memref<10000x128xf32, #tpu.memory_space<vmem_shared>> -> memref<16x128xf32, #tpu.memory_space<vmem_shared>>
      %dma_wait3A_389 = arith.constant 0 : i32
      %dma_wait3A_390 = arith.constant 0 : i32
      %dma_wait3A_391 = tpu.memref_slice %arg2[%dma_wait3A_389, %dma_wait3A_390] : memref<10000x128xf32, #tpu.memory_space<hbm>> -> memref<16x128xf32, #tpu.memory_space<hbm>>
      tpu.wait_dma2 semaphore(%arg25 : memref<!tpu.dma_semaphore, #tpu.memory_space<semaphore_mem>>) src(%dma_wait3A_391 : memref<16x128xf32, #tpu.memory_space<hbm>>) dst(%dma_wait3A_388 : memref<16x128xf32, #tpu.memory_space<vmem_shared>>)
    } else {
    }
    %barrier3A = arith.constant 0 : index
    tpu.barrier barrier_id(%barrier3A)
    %scan3A = arith.constant 0 : i32
    %scan3A_116 = arith.constant 0 : i32
    %scan3A_117 = arith.constant 12 : i32
    %scan3A_118 = arith.addi %scan3A_116, %scan3A_117 : i32
    %scan3A_119 = arith.constant 1 : i32
    scf.for %scan3A_386 = %scan3A_116 to %scan3A_118 step %scan3A_119  : i32 {
      %mul3A_387 = arith.constant 6 : i32
      %mul3A_388 = arith.muli %scan3A_386, %mul3A_387 : i32
      %add3A_389 = arith.constant 0 : i32
      %add3A_390 = arith.addi %mul3A_388, %add3A_389 : i32
      %dma_wait3A_391 = arith.constant 0 : i32
      %dma_wait3A_392 = arith.constant 0 : i32
      %dma_wait3A_393 = tpu.memref_slice %arg11[%dma_wait3A_391, %dma_wait3A_392] : memref<384x128xf32, #tpu.memory_space<vmem>> -> memref<128x128xf32, #tpu.memory_space<vmem>>
      %dma_wait3A_394 = arith.constant 0 : i32
      %dma_wait3A_395 = arith.constant 0 : i32
      %dma_wait3A_396 = tpu.memref_slice %arg2[%dma_wait3A_394, %dma_wait3A_395] : memref<10000x128xf32, #tpu.memory_space<hbm>> -> memref<128x128xf32, #tpu.memory_space<hbm>>
      %dma_wait3A_397 = arith.constant 0 : i32
      %dma_wait3A_398 = arith.constant 0 : i32
      %dma_wait3A_399 = tpu.memref_slice %arg11[%dma_wait3A_397, %dma_wait3A_398] : memref<384x128xf32, #tpu.memory_space<vmem>> -> memref<128x128xf32, #tpu.memory_space<vmem>>
      %dma_wait3A_400 = arith.constant 0 : i32
      %dma_wait3A_401 = arith.constant 0 : i32
      %dma_wait3A_402 = tpu.memref_slice %arg2[%dma_wait3A_400, %dma_wait3A_401] : memref<10000x128xf32, #tpu.memory_space<hbm>> -> memref<128x128xf32, #tpu.memory_space<hbm>>
      tpu.wait_dma2 semaphore(%arg13 : memref<!tpu.dma_semaphore, #tpu.memory_space<semaphore_mem>>) src(%dma_wait3A_402 : memref<128x128xf32, #tpu.memory_space<hbm>>) dst(%dma_wait3A_399 : memref<128x128xf32, #tpu.memory_space<vmem>>)
      %dma_start3A_403 = arith.constant 1 : i32
      %dma_start3A_404 = arith.constant 0 : i32
      %dma_start3A_405 = arith.constant 0 : i32
      %dma_start3A_406 = tpu.memref_slice %arg11[%dma_start3A_404, %dma_start3A_405] : memref<384x128xf32, #tpu.memory_space<vmem>> -> memref<128x128xf32, #tpu.memory_space<vmem>>
      %dma_start3A_407 = arith.constant 0 : i32
      %dma_start3A_408 = tpu.memref_slice %arg5[%dma_start3A_403, %dma_start3A_407] : memref<2x128xi32, #tpu.memory_space<vmem>> -> memref<1x128xi32, #tpu.memory_space<vmem>>
      %dma_start3A_409 = tpu.memref_squeeze %dma_start3A_408 : memref<1x128xi32, #tpu.memory_space<vmem>> -> memref<128xi32, #tpu.memory_space<vmem>>
      %dma_start3A_410 = arith.constant 0 : i32
      %dma_start3A_411 = arith.constant 0 : i32
      %dma_start3A_412 = tpu.memref_slice %arg12[%dma_start3A_410, %dma_start3A_411] : memref<10000x128xf32, #tpu.memory_space<vmem_shared>> -> memref<10000x128xf32, #tpu.memory_space<vmem_shared>>
      tpu.enqueue_indirect_dma source(%dma_start3A_406 : memref<128x128xf32, #tpu.memory_space<vmem>>) target(%dma_start3A_412 : memref<10000x128xf32, #tpu.memory_space<vmem_shared>>) offsets(%dma_start3A_409 : memref<128xi32, #tpu.memory_space<vmem>>) semaphore(%arg22 : memref<!tpu.dma_semaphore, #tpu.memory_space<semaphore_mem>>) {add = true}
      %add3A_413 = arith.constant 6 : i32
      %add3A_414 = arith.addi %add3A_390, %add3A_413 : i32
      %add3A_415 = arith.addi %mul3A_2, %add3A_414 : i32
      %mul3A_416 = arith.constant 128 : i32
      %mul3A_417 = arith.muli %add3A_415, %mul3A_416 : i32
      %dma_start3A_418 = arith.constant 0 : i32
      %dma_start3A_419 = tpu.memref_slice %arg3[%dma_start3A_418, %mul3A_417] : memref<2x320000xi32, #tpu.memory_space<hbm>> -> memref<2x128xi32, #tpu.memory_space<hbm>>
      %dma_start3A_420 = arith.constant 0 : i32
      %dma_start3A_421 = tpu.memref_slice %arg3[%dma_start3A_420, %mul3A_417] : memref<2x320000xi32, #tpu.memory_space<hbm>> -> memref<2x128xi32, #tpu.memory_space<hbm>>
      tpu.enqueue_dma source(%dma_start3A_421 : memref<2x128xi32, #tpu.memory_space<hbm>>) target(%arg5 : memref<2x128xi32, #tpu.memory_space<vmem>>) target_semaphore(%arg16 : memref<!tpu.dma_semaphore, #tpu.memory_space<semaphore_mem>>)
      %dma_wait3A_422 = arith.constant 0 : i32
      %dma_wait3A_423 = arith.constant 0 : i32
      %dma_wait3A_424 = tpu.memref_slice %arg3[%dma_wait3A_422, %dma_wait3A_423] : memref<2x320000xi32, #tpu.memory_space<hbm>> -> memref<2x128xi32, #tpu.memory_space<hbm>>
      %dma_wait3A_425 = arith.constant 0 : i32
      %dma_wait3A_426 = arith.constant 0 : i32
      %dma_wait3A_427 = tpu.memref_slice %arg3[%dma_wait3A_425, %dma_wait3A_426] : memref<2x320000xi32, #tpu.memory_space<hbm>> -> memref<2x128xi32, #tpu.memory_space<hbm>>
      tpu.wait_dma2 semaphore(%arg19 : memref<!tpu.dma_semaphore, #tpu.memory_space<semaphore_mem>>) src(%dma_wait3A_427 : memref<2x128xi32, #tpu.memory_space<hbm>>) dst(%arg8 : memref<2x128xi32, #tpu.memory_space<vmem>>)
      %dma_wait3A_428 = arith.constant 0 : i32
      %dma_wait3A_429 = arith.constant 0 : i32
      %dma_wait3A_430 = tpu.memref_slice %arg11[%dma_wait3A_428, %dma_wait3A_429] : memref<384x128xf32, #tpu.memory_space<vmem>> -> memref<128x128xf32, #tpu.memory_space<vmem>>
      %dma_wait3A_431 = arith.constant 0 : i32
      %dma_wait3A_432 = arith.constant 0 : i32
      %dma_wait3A_433 = tpu.memref_slice %arg2[%dma_wait3A_431, %dma_wait3A_432] : memref<10000x128xf32, #tpu.memory_space<hbm>> -> memref<128x128xf32, #tpu.memory_space<hbm>>
      %dma_wait3A_434 = arith.constant 0 : i32
      %dma_wait3A_435 = arith.constant 0 : i32
      %dma_wait3A_436 = tpu.memref_slice %arg11[%dma_wait3A_434, %dma_wait3A_435] : memref<384x128xf32, #tpu.memory_space<vmem>> -> memref<128x128xf32, #tpu.memory_space<vmem>>
      %dma_wait3A_437 = arith.constant 0 : i32
      %dma_wait3A_438 = arith.constant 0 : i32
      %dma_wait3A_439 = tpu.memref_slice %arg2[%dma_wait3A_437, %dma_wait3A_438] : memref<10000x128xf32, #tpu.memory_space<hbm>> -> memref<128x128xf32, #tpu.memory_space<hbm>>
      tpu.wait_dma2 semaphore(%arg22 : memref<!tpu.dma_semaphore, #tpu.memory_space<semaphore_mem>>) src(%dma_wait3A_439 : memref<128x128xf32, #tpu.memory_space<hbm>>) dst(%dma_wait3A_436 : memref<128x128xf32, #tpu.memory_space<vmem>>)
      %dma_start3A_440 = arith.constant 0 : i32
      %dma_start3A_441 = arith.constant 0 : i32
      %dma_start3A_442 = arith.constant 0 : i32
      %dma_start3A_443 = tpu.memref_slice %arg11[%dma_start3A_441, %dma_start3A_442] : memref<384x128xf32, #tpu.memory_space<vmem>> -> memref<128x128xf32, #tpu.memory_space<vmem>>
      %dma_start3A_444 = arith.constant 0 : i32
      %dma_start3A_445 = tpu.memref_slice %arg8[%dma_start3A_440, %dma_start3A_444] : memref<2x128xi32, #tpu.memory_space<vmem>> -> memref<1x128xi32, #tpu.memory_space<vmem>>
      %dma_start3A_446 = tpu.memref_squeeze %dma_start3A_445 : memref<1x128xi32, #tpu.memory_space<vmem>> -> memref<128xi32, #tpu.memory_space<vmem>>
      %dma_start3A_447 = arith.constant 0 : i32
      %dma_start3A_448 = arith.constant 0 : i32
      %dma_start3A_449 = tpu.memref_slice %arg2[%dma_start3A_447, %dma_start3A_448] : memref<10000x128xf32, #tpu.memory_space<hbm>> -> memref<10000x128xf32, #tpu.memory_space<hbm>>
      tpu.enqueue_indirect_dma source(%dma_start3A_449 : memref<10000x128xf32, #tpu.memory_space<hbm>>) target(%dma_start3A_443 : memref<128x128xf32, #tpu.memory_space<vmem>>) offsets(%dma_start3A_446 : memref<128xi32, #tpu.memory_space<vmem>>) semaphore(%arg13 : memref<!tpu.dma_semaphore, #tpu.memory_space<semaphore_mem>>)
      %mul3A_450 = arith.constant 6 : i32
      %mul3A_451 = arith.muli %scan3A_386, %mul3A_450 : i32
      %add3A_452 = arith.constant 1 : i32
      %add3A_453 = arith.addi %mul3A_451, %add3A_452 : i32
      %dma_wait3A_454 = arith.constant 128 : i32
      %dma_wait3A_455 = arith.constant 0 : i32
      %dma_wait3A_456 = tpu.memref_slice %arg11[%dma_wait3A_454, %dma_wait3A_455] : memref<384x128xf32, #tpu.memory_space<vmem>> -> memref<128x128xf32, #tpu.memory_space<vmem>>
      %dma_wait3A_457 = arith.constant 0 : i32
      %dma_wait3A_458 = arith.constant 0 : i32
      %dma_wait3A_459 = tpu.memref_slice %arg2[%dma_wait3A_457, %dma_wait3A_458] : memref<10000x128xf32, #tpu.memory_space<hbm>> -> memref<128x128xf32, #tpu.memory_space<hbm>>
      %dma_wait3A_460 = arith.constant 128 : i32
      %dma_wait3A_461 = arith.constant 0 : i32
      %dma_wait3A_462 = tpu.memref_slice %arg11[%dma_wait3A_460, %dma_wait3A_461] : memref<384x128xf32, #tpu.memory_space<vmem>> -> memref<128x128xf32, #tpu.memory_space<vmem>>
      %dma_wait3A_463 = arith.constant 0 : i32
      %dma_wait3A_464 = arith.constant 0 : i32
      %dma_wait3A_465 = tpu.memref_slice %arg2[%dma_wait3A_463, %dma_wait3A_464] : memref<10000x128xf32, #tpu.memory_space<hbm>> -> memref<128x128xf32, #tpu.memory_space<hbm>>
      tpu.wait_dma2 semaphore(%arg14 : memref<!tpu.dma_semaphore, #tpu.memory_space<semaphore_mem>>) src(%dma_wait3A_465 : memref<128x128xf32, #tpu.memory_space<hbm>>) dst(%dma_wait3A_462 : memref<128x128xf32, #tpu.memory_space<vmem>>)
      %dma_start3A_466 = arith.constant 1 : i32
      %dma_start3A_467 = arith.constant 128 : i32
      %dma_start3A_468 = arith.constant 0 : i32
      %dma_start3A_469 = tpu.memref_slice %arg11[%dma_start3A_467, %dma_start3A_468] : memref<384x128xf32, #tpu.memory_space<vmem>> -> memref<128x128xf32, #tpu.memory_space<vmem>>
      %dma_start3A_470 = arith.constant 0 : i32
      %dma_start3A_471 = tpu.memref_slice %arg6[%dma_start3A_466, %dma_start3A_470] : memref<2x128xi32, #tpu.memory_space<vmem>> -> memref<1x128xi32, #tpu.memory_space<vmem>>
      %dma_start3A_472 = tpu.memref_squeeze %dma_start3A_471 : memref<1x128xi32, #tpu.memory_space<vmem>> -> memref<128xi32, #tpu.memory_space<vmem>>
      %dma_start3A_473 = arith.constant 0 : i32
      %dma_start3A_474 = arith.constant 0 : i32
      %dma_start3A_475 = tpu.memref_slice %arg12[%dma_start3A_473, %dma_start3A_474] : memref<10000x128xf32, #tpu.memory_space<vmem_shared>> -> memref<10000x128xf32, #tpu.memory_space<vmem_shared>>
      tpu.enqueue_indirect_dma source(%dma_start3A_469 : memref<128x128xf32, #tpu.memory_space<vmem>>) target(%dma_start3A_475 : memref<10000x128xf32, #tpu.memory_space<vmem_shared>>) offsets(%dma_start3A_472 : memref<128xi32, #tpu.memory_space<vmem>>) semaphore(%arg23 : memref<!tpu.dma_semaphore, #tpu.memory_space<semaphore_mem>>) {add = true}
      %add3A_476 = arith.constant 6 : i32
      %add3A_477 = arith.addi %add3A_453, %add3A_476 : i32
      %add3A_478 = arith.addi %mul3A_2, %add3A_477 : i32
      %mul3A_479 = arith.constant 128 : i32
      %mul3A_480 = arith.muli %add3A_478, %mul3A_479 : i32
      %dma_start3A_481 = arith.constant 0 : i32
      %dma_start3A_482 = tpu.memref_slice %arg3[%dma_start3A_481, %mul3A_480] : memref<2x320000xi32, #tpu.memory_space<hbm>> -> memref<2x128xi32, #tpu.memory_space<hbm>>
      %dma_start3A_483 = arith.constant 0 : i32
      %dma_start3A_484 = tpu.memref_slice %arg3[%dma_start3A_483, %mul3A_480] : memref<2x320000xi32, #tpu.memory_space<hbm>> -> memref<2x128xi32, #tpu.memory_space<hbm>>
      tpu.enqueue_dma source(%dma_start3A_484 : memref<2x128xi32, #tpu.memory_space<hbm>>) target(%arg6 : memref<2x128xi32, #tpu.memory_space<vmem>>) target_semaphore(%arg17 : memref<!tpu.dma_semaphore, #tpu.memory_space<semaphore_mem>>)
      %dma_wait3A_485 = arith.constant 0 : i32
      %dma_wait3A_486 = arith.constant 0 : i32
      %dma_wait3A_487 = tpu.memref_slice %arg3[%dma_wait3A_485, %dma_wait3A_486] : memref<2x320000xi32, #tpu.memory_space<hbm>> -> memref<2x128xi32, #tpu.memory_space<hbm>>
      %dma_wait3A_488 = arith.constant 0 : i32
      %dma_wait3A_489 = arith.constant 0 : i32
      %dma_wait3A_490 = tpu.memref_slice %arg3[%dma_wait3A_488, %dma_wait3A_489] : memref<2x320000xi32, #tpu.memory_space<hbm>> -> memref<2x128xi32, #tpu.memory_space<hbm>>
      tpu.wait_dma2 semaphore(%arg20 : memref<!tpu.dma_semaphore, #tpu.memory_space<semaphore_mem>>) src(%dma_wait3A_490 : memref<2x128xi32, #tpu.memory_space<hbm>>) dst(%arg9 : memref<2x128xi32, #tpu.memory_space<vmem>>)
      %dma_wait3A_491 = arith.constant 128 : i32
      %dma_wait3A_492 = arith.constant 0 : i32
      %dma_wait3A_493 = tpu.memref_slice %arg11[%dma_wait3A_491, %dma_wait3A_492] : memref<384x128xf32, #tpu.memory_space<vmem>> -> memref<128x128xf32, #tpu.memory_space<vmem>>
      %dma_wait3A_494 = arith.constant 0 : i32
      %dma_wait3A_495 = arith.constant 0 : i32
      %dma_wait3A_496 = tpu.memref_slice %arg2[%dma_wait3A_494, %dma_wait3A_495] : memref<10000x128xf32, #tpu.memory_space<hbm>> -> memref<128x128xf32, #tpu.memory_space<hbm>>
      %dma_wait3A_497 = arith.constant 128 : i32
      %dma_wait3A_498 = arith.constant 0 : i32
      %dma_wait3A_499 = tpu.memref_slice %arg11[%dma_wait3A_497, %dma_wait3A_498] : memref<384x128xf32, #tpu.memory_space<vmem>> -> memref<128x128xf32, #tpu.memory_space<vmem>>
      %dma_wait3A_500 = arith.constant 0 : i32
      %dma_wait3A_501 = arith.constant 0 : i32
      %dma_wait3A_502 = tpu.memref_slice %arg2[%dma_wait3A_500, %dma_wait3A_501] : memref<10000x128xf32, #tpu.memory_space<hbm>> -> memref<128x128xf32, #tpu.memory_space<hbm>>
      tpu.wait_dma2 semaphore(%arg23 : memref<!tpu.dma_semaphore, #tpu.memory_space<semaphore_mem>>) src(%dma_wait3A_502 : memref<128x128xf32, #tpu.memory_space<hbm>>) dst(%dma_wait3A_499 : memref<128x128xf32, #tpu.memory_space<vmem>>)
      %dma_start3A_503 = arith.constant 0 : i32
      %dma_start3A_504 = arith.constant 128 : i32
      %dma_start3A_505 = arith.constant 0 : i32
      %dma_start3A_506 = tpu.memref_slice %arg11[%dma_start3A_504, %dma_start3A_505] : memref<384x128xf32, #tpu.memory_space<vmem>> -> memref<128x128xf32, #tpu.memory_space<vmem>>
      %dma_start3A_507 = arith.constant 0 : i32
      %dma_start3A_508 = tpu.memref_slice %arg9[%dma_start3A_503, %dma_start3A_507] : memref<2x128xi32, #tpu.memory_space<vmem>> -> memref<1x128xi32, #tpu.memory_space<vmem>>
      %dma_start3A_509 = tpu.memref_squeeze %dma_start3A_508 : memref<1x128xi32, #tpu.memory_space<vmem>> -> memref<128xi32, #tpu.memory_space<vmem>>
      %dma_start3A_510 = arith.constant 0 : i32
      %dma_start3A_511 = arith.constant 0 : i32
      %dma_start3A_512 = tpu.memref_slice %arg2[%dma_start3A_510, %dma_start3A_511] : memref<10000x128xf32, #tpu.memory_space<hbm>> -> memref<10000x128xf32, #tpu.memory_space<hbm>>
      tpu.enqueue_indirect_dma source(%dma_start3A_512 : memref<10000x128xf32, #tpu.memory_space<hbm>>) target(%dma_start3A_506 : memref<128x128xf32, #tpu.memory_space<vmem>>) offsets(%dma_start3A_509 : memref<128xi32, #tpu.memory_space<vmem>>) semaphore(%arg14 : memref<!tpu.dma_semaphore, #tpu.memory_space<semaphore_mem>>)
      %mul3A_513 = arith.constant 6 : i32
      %mul3A_514 = arith.muli %scan3A_386, %mul3A_513 : i32
      %add3A_515 = arith.constant 2 : i32
      %add3A_516 = arith.addi %mul3A_514, %add3A_515 : i32
      %dma_wait3A_517 = arith.constant 256 : i32
      %dma_wait3A_518 = arith.constant 0 : i32
      %dma_wait3A_519 = tpu.memref_slice %arg11[%dma_wait3A_517, %dma_wait3A_518] : memref<384x128xf32, #tpu.memory_space<vmem>> -> memref<128x128xf32, #tpu.memory_space<vmem>>
      %dma_wait3A_520 = arith.constant 0 : i32
      %dma_wait3A_521 = arith.constant 0 : i32
      %dma_wait3A_522 = tpu.memref_slice %arg2[%dma_wait3A_520, %dma_wait3A_521] : memref<10000x128xf32, #tpu.memory_space<hbm>> -> memref<128x128xf32, #tpu.memory_space<hbm>>
      %dma_wait3A_523 = arith.constant 256 : i32
      %dma_wait3A_524 = arith.constant 0 : i32
      %dma_wait3A_525 = tpu.memref_slice %arg11[%dma_wait3A_523, %dma_wait3A_524] : memref<384x128xf32, #tpu.memory_space<vmem>> -> memref<128x128xf32, #tpu.memory_space<vmem>>
      %dma_wait3A_526 = arith.constant 0 : i32
      %dma_wait3A_527 = arith.constant 0 : i32
      %dma_wait3A_528 = tpu.memref_slice %arg2[%dma_wait3A_526, %dma_wait3A_527] : memref<10000x128xf32, #tpu.memory_space<hbm>> -> memref<128x128xf32, #tpu.memory_space<hbm>>
      tpu.wait_dma2 semaphore(%arg15 : memref<!tpu.dma_semaphore, #tpu.memory_space<semaphore_mem>>) src(%dma_wait3A_528 : memref<128x128xf32, #tpu.memory_space<hbm>>) dst(%dma_wait3A_525 : memref<128x128xf32, #tpu.memory_space<vmem>>)
      %dma_start3A_529 = arith.constant 1 : i32
      %dma_start3A_530 = arith.constant 256 : i32
      %dma_start3A_531 = arith.constant 0 : i32
      %dma_start3A_532 = tpu.memref_slice %arg11[%dma_start3A_530, %dma_start3A_531] : memref<384x128xf32, #tpu.memory_space<vmem>> -> memref<128x128xf32, #tpu.memory_space<vmem>>
      %dma_start3A_533 = arith.constant 0 : i32
      %dma_start3A_534 = tpu.memref_slice %arg7[%dma_start3A_529, %dma_start3A_533] : memref<2x128xi32, #tpu.memory_space<vmem>> -> memref<1x128xi32, #tpu.memory_space<vmem>>
      %dma_start3A_535 = tpu.memref_squeeze %dma_start3A_534 : memref<1x128xi32, #tpu.memory_space<vmem>> -> memref<128xi32, #tpu.memory_space<vmem>>
      %dma_start3A_536 = arith.constant 0 : i32
      %dma_start3A_537 = arith.constant 0 : i32
      %dma_start3A_538 = tpu.memref_slice %arg12[%dma_start3A_536, %dma_start3A_537] : memref<10000x128xf32, #tpu.memory_space<vmem_shared>> -> memref<10000x128xf32, #tpu.memory_space<vmem_shared>>
      tpu.enqueue_indirect_dma source(%dma_start3A_532 : memref<128x128xf32, #tpu.memory_space<vmem>>) target(%dma_start3A_538 : memref<10000x128xf32, #tpu.memory_space<vmem_shared>>) offsets(%dma_start3A_535 : memref<128xi32, #tpu.memory_space<vmem>>) semaphore(%arg24 : memref<!tpu.dma_semaphore, #tpu.memory_space<semaphore_mem>>) {add = true}
      %add3A_539 = arith.constant 6 : i32
      %add3A_540 = arith.addi %add3A_516, %add3A_539 : i32
      %add3A_541 = arith.addi %mul3A_2, %add3A_540 : i32
      %mul3A_542 = arith.constant 128 : i32
      %mul3A_543 = arith.muli %add3A_541, %mul3A_542 : i32
      %dma_start3A_544 = arith.constant 0 : i32
      %dma_start3A_545 = tpu.memref_slice %arg3[%dma_start3A_544, %mul3A_543] : memref<2x320000xi32, #tpu.memory_space<hbm>> -> memref<2x128xi32, #tpu.memory_space<hbm>>
      %dma_start3A_546 = arith.constant 0 : i32
      %dma_start3A_547 = tpu.memref_slice %arg3[%dma_start3A_546, %mul3A_543] : memref<2x320000xi32, #tpu.memory_space<hbm>> -> memref<2x128xi32, #tpu.memory_space<hbm>>
      tpu.enqueue_dma source(%dma_start3A_547 : memref<2x128xi32, #tpu.memory_space<hbm>>) target(%arg7 : memref<2x128xi32, #tpu.memory_space<vmem>>) target_semaphore(%arg18 : memref<!tpu.dma_semaphore, #tpu.memory_space<semaphore_mem>>)
      %dma_wait3A_548 = arith.constant 0 : i32
      %dma_wait3A_549 = arith.constant 0 : i32
      %dma_wait3A_550 = tpu.memref_slice %arg3[%dma_wait3A_548, %dma_wait3A_549] : memref<2x320000xi32, #tpu.memory_space<hbm>> -> memref<2x128xi32, #tpu.memory_space<hbm>>
      %dma_wait3A_551 = arith.constant 0 : i32
      %dma_wait3A_552 = arith.constant 0 : i32
      %dma_wait3A_553 = tpu.memref_slice %arg3[%dma_wait3A_551, %dma_wait3A_552] : memref<2x320000xi32, #tpu.memory_space<hbm>> -> memref<2x128xi32, #tpu.memory_space<hbm>>
      tpu.wait_dma2 semaphore(%arg21 : memref<!tpu.dma_semaphore, #tpu.memory_space<semaphore_mem>>) src(%dma_wait3A_553 : memref<2x128xi32, #tpu.memory_space<hbm>>) dst(%arg10 : memref<2x128xi32, #tpu.memory_space<vmem>>)
      %dma_wait3A_554 = arith.constant 256 : i32
      %dma_wait3A_555 = arith.constant 0 : i32
      %dma_wait3A_556 = tpu.memref_slice %arg11[%dma_wait3A_554, %dma_wait3A_555] : memref<384x128xf32, #tpu.memory_space<vmem>> -> memref<128x128xf32, #tpu.memory_space<vmem>>
      %dma_wait3A_557 = arith.constant 0 : i32
      %dma_wait3A_558 = arith.constant 0 : i32
      %dma_wait3A_559 = tpu.memref_slice %arg2[%dma_wait3A_557, %dma_wait3A_558] : memref<10000x128xf32, #tpu.memory_space<hbm>> -> memref<128x128xf32, #tpu.memory_space<hbm>>
      %dma_wait3A_560 = arith.constant 256 : i32
      %dma_wait3A_561 = arith.constant 0 : i32
      %dma_wait3A_562 = tpu.memref_slice %arg11[%dma_wait3A_560, %dma_wait3A_561] : memref<384x128xf32, #tpu.memory_space<vmem>> -> memref<128x128xf32, #tpu.memory_space<vmem>>
      %dma_wait3A_563 = arith.constant 0 : i32
      %dma_wait3A_564 = arith.constant 0 : i32
      %dma_wait3A_565 = tpu.memref_slice %arg2[%dma_wait3A_563, %dma_wait3A_564] : memref<10000x128xf32, #tpu.memory_space<hbm>> -> memref<128x128xf32, #tpu.memory_space<hbm>>
      tpu.wait_dma2 semaphore(%arg24 : memref<!tpu.dma_semaphore, #tpu.memory_space<semaphore_mem>>) src(%dma_wait3A_565 : memref<128x128xf32, #tpu.memory_space<hbm>>) dst(%dma_wait3A_562 : memref<128x128xf32, #tpu.memory_space<vmem>>)
      %dma_start3A_566 = arith.constant 0 : i32
      %dma_start3A_567 = arith.constant 256 : i32
      %dma_start3A_568 = arith.constant 0 : i32
      %dma_start3A_569 = tpu.memref_slice %arg11[%dma_start3A_567, %dma_start3A_568] : memref<384x128xf32, #tpu.memory_space<vmem>> -> memref<128x128xf32, #tpu.memory_space<vmem>>
      %dma_start3A_570 = arith.constant 0 : i32
      %dma_start3A_571 = tpu.memref_slice %arg10[%dma_start3A_566, %dma_start3A_570] : memref<2x128xi32, #tpu.memory_space<vmem>> -> memref<1x128xi32, #tpu.memory_space<vmem>>
      %dma_start3A_572 = tpu.memref_squeeze %dma_start3A_571 : memref<1x128xi32, #tpu.memory_space<vmem>> -> memref<128xi32, #tpu.memory_space<vmem>>
      %dma_start3A_573 = arith.constant 0 : i32
      %dma_start3A_574 = arith.constant 0 : i32
      %dma_start3A_575 = tpu.memref_slice %arg2[%dma_start3A_573, %dma_start3A_574] : memref<10000x128xf32, #tpu.memory_space<hbm>> -> memref<10000x128xf32, #tpu.memory_space<hbm>>
      tpu.enqueue_indirect_dma source(%dma_start3A_575 : memref<10000x128xf32, #tpu.memory_space<hbm>>) target(%dma_start3A_569 : memref<128x128xf32, #tpu.memory_space<vmem>>) offsets(%dma_start3A_572 : memref<128xi32, #tpu.memory_space<vmem>>) semaphore(%arg15 : memref<!tpu.dma_semaphore, #tpu.memory_space<semaphore_mem>>)
      %mul3A_576 = arith.constant 6 : i32
      %mul3A_577 = arith.muli %scan3A_386, %mul3A_576 : i32
      %add3A_578 = arith.constant 3 : i32
      %add3A_579 = arith.addi %mul3A_577, %add3A_578 : i32
      %dma_wait3A_580 = arith.constant 0 : i32
      %dma_wait3A_581 = arith.constant 0 : i32
      %dma_wait3A_582 = tpu.memref_slice %arg11[%dma_wait3A_580, %dma_wait3A_581] : memref<384x128xf32, #tpu.memory_space<vmem>> -> memref<128x128xf32, #tpu.memory_space<vmem>>
      %dma_wait3A_583 = arith.constant 0 : i32
      %dma_wait3A_584 = arith.constant 0 : i32
      %dma_wait3A_585 = tpu.memref_slice %arg2[%dma_wait3A_583, %dma_wait3A_584] : memref<10000x128xf32, #tpu.memory_space<hbm>> -> memref<128x128xf32, #tpu.memory_space<hbm>>
      %dma_wait3A_586 = arith.constant 0 : i32
      %dma_wait3A_587 = arith.constant 0 : i32
      %dma_wait3A_588 = tpu.memref_slice %arg11[%dma_wait3A_586, %dma_wait3A_587] : memref<384x128xf32, #tpu.memory_space<vmem>> -> memref<128x128xf32, #tpu.memory_space<vmem>>
      %dma_wait3A_589 = arith.constant 0 : i32
      %dma_wait3A_590 = arith.constant 0 : i32
      %dma_wait3A_591 = tpu.memref_slice %arg2[%dma_wait3A_589, %dma_wait3A_590] : memref<10000x128xf32, #tpu.memory_space<hbm>> -> memref<128x128xf32, #tpu.memory_space<hbm>>
      tpu.wait_dma2 semaphore(%arg13 : memref<!tpu.dma_semaphore, #tpu.memory_space<semaphore_mem>>) src(%dma_wait3A_591 : memref<128x128xf32, #tpu.memory_space<hbm>>) dst(%dma_wait3A_588 : memref<128x128xf32, #tpu.memory_space<vmem>>)
      %dma_start3A_592 = arith.constant 1 : i32
      %dma_start3A_593 = arith.constant 0 : i32
      %dma_start3A_594 = arith.constant 0 : i32
      %dma_start3A_595 = tpu.memref_slice %arg11[%dma_start3A_593, %dma_start3A_594] : memref<384x128xf32, #tpu.memory_space<vmem>> -> memref<128x128xf32, #tpu.memory_space<vmem>>
      %dma_start3A_596 = arith.constant 0 : i32
      %dma_start3A_597 = tpu.memref_slice %arg8[%dma_start3A_592, %dma_start3A_596] : memref<2x128xi32, #tpu.memory_space<vmem>> -> memref<1x128xi32, #tpu.memory_space<vmem>>
      %dma_start3A_598 = tpu.memref_squeeze %dma_start3A_597 : memref<1x128xi32, #tpu.memory_space<vmem>> -> memref<128xi32, #tpu.memory_space<vmem>>
      %dma_start3A_599 = arith.constant 0 : i32
      %dma_start3A_600 = arith.constant 0 : i32
      %dma_start3A_601 = tpu.memref_slice %arg12[%dma_start3A_599, %dma_start3A_600] : memref<10000x128xf32, #tpu.memory_space<vmem_shared>> -> memref<10000x128xf32, #tpu.memory_space<vmem_shared>>
      tpu.enqueue_indirect_dma source(%dma_start3A_595 : memref<128x128xf32, #tpu.memory_space<vmem>>) target(%dma_start3A_601 : memref<10000x128xf32, #tpu.memory_space<vmem_shared>>) offsets(%dma_start3A_598 : memref<128xi32, #tpu.memory_space<vmem>>) semaphore(%arg22 : memref<!tpu.dma_semaphore, #tpu.memory_space<semaphore_mem>>) {add = true}
      %add3A_602 = arith.constant 6 : i32
      %add3A_603 = arith.addi %add3A_579, %add3A_602 : i32
      %add3A_604 = arith.addi %mul3A_2, %add3A_603 : i32
      %mul3A_605 = arith.constant 128 : i32
      %mul3A_606 = arith.muli %add3A_604, %mul3A_605 : i32
      %dma_start3A_607 = arith.constant 0 : i32
      %dma_start3A_608 = tpu.memref_slice %arg3[%dma_start3A_607, %mul3A_606] : memref<2x320000xi32, #tpu.memory_space<hbm>> -> memref<2x128xi32, #tpu.memory_space<hbm>>
      %dma_start3A_609 = arith.constant 0 : i32
      %dma_start3A_610 = tpu.memref_slice %arg3[%dma_start3A_609, %mul3A_606] : memref<2x320000xi32, #tpu.memory_space<hbm>> -> memref<2x128xi32, #tpu.memory_space<hbm>>
      tpu.enqueue_dma source(%dma_start3A_610 : memref<2x128xi32, #tpu.memory_space<hbm>>) target(%arg8 : memref<2x128xi32, #tpu.memory_space<vmem>>) target_semaphore(%arg19 : memref<!tpu.dma_semaphore, #tpu.memory_space<semaphore_mem>>)
      %dma_wait3A_611 = arith.constant 0 : i32
      %dma_wait3A_612 = arith.constant 0 : i32
      %dma_wait3A_613 = tpu.memref_slice %arg3[%dma_wait3A_611, %dma_wait3A_612] : memref<2x320000xi32, #tpu.memory_space<hbm>> -> memref<2x128xi32, #tpu.memory_space<hbm>>
      %dma_wait3A_614 = arith.constant 0 : i32
      %dma_wait3A_615 = arith.constant 0 : i32
      %dma_wait3A_616 = tpu.memref_slice %arg3[%dma_wait3A_614, %dma_wait3A_615] : memref<2x320000xi32, #tpu.memory_space<hbm>> -> memref<2x128xi32, #tpu.memory_space<hbm>>
      tpu.wait_dma2 semaphore(%arg16 : memref<!tpu.dma_semaphore, #tpu.memory_space<semaphore_mem>>) src(%dma_wait3A_616 : memref<2x128xi32, #tpu.memory_space<hbm>>) dst(%arg5 : memref<2x128xi32, #tpu.memory_space<vmem>>)
      %dma_wait3A_617 = arith.constant 0 : i32
      %dma_wait3A_618 = arith.constant 0 : i32
      %dma_wait3A_619 = tpu.memref_slice %arg11[%dma_wait3A_617, %dma_wait3A_618] : memref<384x128xf32, #tpu.memory_space<vmem>> -> memref<128x128xf32, #tpu.memory_space<vmem>>
      %dma_wait3A_620 = arith.constant 0 : i32
      %dma_wait3A_621 = arith.constant 0 : i32
      %dma_wait3A_622 = tpu.memref_slice %arg2[%dma_wait3A_620, %dma_wait3A_621] : memref<10000x128xf32, #tpu.memory_space<hbm>> -> memref<128x128xf32, #tpu.memory_space<hbm>>
      %dma_wait3A_623 = arith.constant 0 : i32
      %dma_wait3A_624 = arith.constant 0 : i32
      %dma_wait3A_625 = tpu.memref_slice %arg11[%dma_wait3A_623, %dma_wait3A_624] : memref<384x128xf32, #tpu.memory_space<vmem>> -> memref<128x128xf32, #tpu.memory_space<vmem>>
      %dma_wait3A_626 = arith.constant 0 : i32
      %dma_wait3A_627 = arith.constant 0 : i32
      %dma_wait3A_628 = tpu.memref_slice %arg2[%dma_wait3A_626, %dma_wait3A_627] : memref<10000x128xf32, #tpu.memory_space<hbm>> -> memref<128x128xf32, #tpu.memory_space<hbm>>
      tpu.wait_dma2 semaphore(%arg22 : memref<!tpu.dma_semaphore, #tpu.memory_space<semaphore_mem>>) src(%dma_wait3A_628 : memref<128x128xf32, #tpu.memory_space<hbm>>) dst(%dma_wait3A_625 : memref<128x128xf32, #tpu.memory_space<vmem>>)
      %dma_start3A_629 = arith.constant 0 : i32
      %dma_start3A_630 = arith.constant 0 : i32
      %dma_start3A_631 = arith.constant 0 : i32
      %dma_start3A_632 = tpu.memref_slice %arg11[%dma_start3A_630, %dma_start3A_631] : memref<384x128xf32, #tpu.memory_space<vmem>> -> memref<128x128xf32, #tpu.memory_space<vmem>>
      %dma_start3A_633 = arith.constant 0 : i32
      %dma_start3A_634 = tpu.memref_slice %arg5[%dma_start3A_629, %dma_start3A_633] : memref<2x128xi32, #tpu.memory_space<vmem>> -> memref<1x128xi32, #tpu.memory_space<vmem>>
      %dma_start3A_635 = tpu.memref_squeeze %dma_start3A_634 : memref<1x128xi32, #tpu.memory_space<vmem>> -> memref<128xi32, #tpu.memory_space<vmem>>
      %dma_start3A_636 = arith.constant 0 : i32
      %dma_start3A_637 = arith.constant 0 : i32
      %dma_start3A_638 = tpu.memref_slice %arg2[%dma_start3A_636, %dma_start3A_637] : memref<10000x128xf32, #tpu.memory_space<hbm>> -> memref<10000x128xf32, #tpu.memory_space<hbm>>
      tpu.enqueue_indirect_dma source(%dma_start3A_638 : memref<10000x128xf32, #tpu.memory_space<hbm>>) target(%dma_start3A_632 : memref<128x128xf32, #tpu.memory_space<vmem>>) offsets(%dma_start3A_635 : memref<128xi32, #tpu.memory_space<vmem>>) semaphore(%arg13 : memref<!tpu.dma_semaphore, #tpu.memory_space<semaphore_mem>>)
      %mul3A_639 = arith.constant 6 : i32
      %mul3A_640 = arith.muli %scan3A_386, %mul3A_639 : i32
      %add3A_641 = arith.constant 4 : i32
      %add3A_642 = arith.addi %mul3A_640, %add3A_641 : i32
      %dma_wait3A_643 = arith.constant 128 : i32
      %dma_wait3A_644 = arith.constant 0 : i32
      %dma_wait3A_645 = tpu.memref_slice %arg11[%dma_wait3A_643, %dma_wait3A_644] : memref<384x128xf32, #tpu.memory_space<vmem>> -> memref<128x128xf32, #tpu.memory_space<vmem>>
      %dma_wait3A_646 = arith.constant 0 : i32
      %dma_wait3A_647 = arith.constant 0 : i32
      %dma_wait3A_648 = tpu.memref_slice %arg2[%dma_wait3A_646, %dma_wait3A_647] : memref<10000x128xf32, #tpu.memory_space<hbm>> -> memref<128x128xf32, #tpu.memory_space<hbm>>
      %dma_wait3A_649 = arith.constant 128 : i32
      %dma_wait3A_650 = arith.constant 0 : i32
      %dma_wait3A_651 = tpu.memref_slice %arg11[%dma_wait3A_649, %dma_wait3A_650] : memref<384x128xf32, #tpu.memory_space<vmem>> -> memref<128x128xf32, #tpu.memory_space<vmem>>
      %dma_wait3A_652 = arith.constant 0 : i32
      %dma_wait3A_653 = arith.constant 0 : i32
      %dma_wait3A_654 = tpu.memref_slice %arg2[%dma_wait3A_652, %dma_wait3A_653] : memref<10000x128xf32, #tpu.memory_space<hbm>> -> memref<128x128xf32, #tpu.memory_space<hbm>>
      tpu.wait_dma2 semaphore(%arg14 : memref<!tpu.dma_semaphore, #tpu.memory_space<semaphore_mem>>) src(%dma_wait3A_654 : memref<128x128xf32, #tpu.memory_space<hbm>>) dst(%dma_wait3A_651 : memref<128x128xf32, #tpu.memory_space<vmem>>)
      %dma_start3A_655 = arith.constant 1 : i32
      %dma_start3A_656 = arith.constant 128 : i32
      %dma_start3A_657 = arith.constant 0 : i32
      %dma_start3A_658 = tpu.memref_slice %arg11[%dma_start3A_656, %dma_start3A_657] : memref<384x128xf32, #tpu.memory_space<vmem>> -> memref<128x128xf32, #tpu.memory_space<vmem>>
      %dma_start3A_659 = arith.constant 0 : i32
      %dma_start3A_660 = tpu.memref_slice %arg9[%dma_start3A_655, %dma_start3A_659] : memref<2x128xi32, #tpu.memory_space<vmem>> -> memref<1x128xi32, #tpu.memory_space<vmem>>
      %dma_start3A_661 = tpu.memref_squeeze %dma_start3A_660 : memref<1x128xi32, #tpu.memory_space<vmem>> -> memref<128xi32, #tpu.memory_space<vmem>>
      %dma_start3A_662 = arith.constant 0 : i32
      %dma_start3A_663 = arith.constant 0 : i32
      %dma_start3A_664 = tpu.memref_slice %arg12[%dma_start3A_662, %dma_start3A_663] : memref<10000x128xf32, #tpu.memory_space<vmem_shared>> -> memref<10000x128xf32, #tpu.memory_space<vmem_shared>>
      tpu.enqueue_indirect_dma source(%dma_start3A_658 : memref<128x128xf32, #tpu.memory_space<vmem>>) target(%dma_start3A_664 : memref<10000x128xf32, #tpu.memory_space<vmem_shared>>) offsets(%dma_start3A_661 : memref<128xi32, #tpu.memory_space<vmem>>) semaphore(%arg23 : memref<!tpu.dma_semaphore, #tpu.memory_space<semaphore_mem>>) {add = true}
      %add3A_665 = arith.constant 6 : i32
      %add3A_666 = arith.addi %add3A_642, %add3A_665 : i32
      %add3A_667 = arith.addi %mul3A_2, %add3A_666 : i32
      %mul3A_668 = arith.constant 128 : i32
      %mul3A_669 = arith.muli %add3A_667, %mul3A_668 : i32
      %dma_start3A_670 = arith.constant 0 : i32
      %dma_start3A_671 = tpu.memref_slice %arg3[%dma_start3A_670, %mul3A_669] : memref<2x320000xi32, #tpu.memory_space<hbm>> -> memref<2x128xi32, #tpu.memory_space<hbm>>
      %dma_start3A_672 = arith.constant 0 : i32
      %dma_start3A_673 = tpu.memref_slice %arg3[%dma_start3A_672, %mul3A_669] : memref<2x320000xi32, #tpu.memory_space<hbm>> -> memref<2x128xi32, #tpu.memory_space<hbm>>
      tpu.enqueue_dma source(%dma_start3A_673 : memref<2x128xi32, #tpu.memory_space<hbm>>) target(%arg9 : memref<2x128xi32, #tpu.memory_space<vmem>>) target_semaphore(%arg20 : memref<!tpu.dma_semaphore, #tpu.memory_space<semaphore_mem>>)
      %dma_wait3A_674 = arith.constant 0 : i32
      %dma_wait3A_675 = arith.constant 0 : i32
      %dma_wait3A_676 = tpu.memref_slice %arg3[%dma_wait3A_674, %dma_wait3A_675] : memref<2x320000xi32, #tpu.memory_space<hbm>> -> memref<2x128xi32, #tpu.memory_space<hbm>>
      %dma_wait3A_677 = arith.constant 0 : i32
      %dma_wait3A_678 = arith.constant 0 : i32
      %dma_wait3A_679 = tpu.memref_slice %arg3[%dma_wait3A_677, %dma_wait3A_678] : memref<2x320000xi32, #tpu.memory_space<hbm>> -> memref<2x128xi32, #tpu.memory_space<hbm>>
      tpu.wait_dma2 semaphore(%arg17 : memref<!tpu.dma_semaphore, #tpu.memory_space<semaphore_mem>>) src(%dma_wait3A_679 : memref<2x128xi32, #tpu.memory_space<hbm>>) dst(%arg6 : memref<2x128xi32, #tpu.memory_space<vmem>>)
      %dma_wait3A_680 = arith.constant 128 : i32
      %dma_wait3A_681 = arith.constant 0 : i32
      %dma_wait3A_682 = tpu.memref_slice %arg11[%dma_wait3A_680, %dma_wait3A_681] : memref<384x128xf32, #tpu.memory_space<vmem>> -> memref<128x128xf32, #tpu.memory_space<vmem>>
      %dma_wait3A_683 = arith.constant 0 : i32
      %dma_wait3A_684 = arith.constant 0 : i32
      %dma_wait3A_685 = tpu.memref_slice %arg2[%dma_wait3A_683, %dma_wait3A_684] : memref<10000x128xf32, #tpu.memory_space<hbm>> -> memref<128x128xf32, #tpu.memory_space<hbm>>
      %dma_wait3A_686 = arith.constant 128 : i32
      %dma_wait3A_687 = arith.constant 0 : i32
      %dma_wait3A_688 = tpu.memref_slice %arg11[%dma_wait3A_686, %dma_wait3A_687] : memref<384x128xf32, #tpu.memory_space<vmem>> -> memref<128x128xf32, #tpu.memory_space<vmem>>
      %dma_wait3A_689 = arith.constant 0 : i32
      %dma_wait3A_690 = arith.constant 0 : i32
      %dma_wait3A_691 = tpu.memref_slice %arg2[%dma_wait3A_689, %dma_wait3A_690] : memref<10000x128xf32, #tpu.memory_space<hbm>> -> memref<128x128xf32, #tpu.memory_space<hbm>>
      tpu.wait_dma2 semaphore(%arg23 : memref<!tpu.dma_semaphore, #tpu.memory_space<semaphore_mem>>) src(%dma_wait3A_691 : memref<128x128xf32, #tpu.memory_space<hbm>>) dst(%dma_wait3A_688 : memref<128x128xf32, #tpu.memory_space<vmem>>)
      %dma_start3A_692 = arith.constant 0 : i32
      %dma_start3A_693 = arith.constant 128 : i32
      %dma_start3A_694 = arith.constant 0 : i32
      %dma_start3A_695 = tpu.memref_slice %arg11[%dma_start3A_693, %dma_start3A_694] : memref<384x128xf32, #tpu.memory_space<vmem>> -> memref<128x128xf32, #tpu.memory_space<vmem>>
      %dma_start3A_696 = arith.constant 0 : i32
      %dma_start3A_697 = tpu.memref_slice %arg6[%dma_start3A_692, %dma_start3A_696] : memref<2x128xi32, #tpu.memory_space<vmem>> -> memref<1x128xi32, #tpu.memory_space<vmem>>
      %dma_start3A_698 = tpu.memref_squeeze %dma_start3A_697 : memref<1x128xi32, #tpu.memory_space<vmem>> -> memref<128xi32, #tpu.memory_space<vmem>>
      %dma_start3A_699 = arith.constant 0 : i32
      %dma_start3A_700 = arith.constant 0 : i32
      %dma_start3A_701 = tpu.memref_slice %arg2[%dma_start3A_699, %dma_start3A_700] : memref<10000x128xf32, #tpu.memory_space<hbm>> -> memref<10000x128xf32, #tpu.memory_space<hbm>>
      tpu.enqueue_indirect_dma source(%dma_start3A_701 : memref<10000x128xf32, #tpu.memory_space<hbm>>) target(%dma_start3A_695 : memref<128x128xf32, #tpu.memory_space<vmem>>) offsets(%dma_start3A_698 : memref<128xi32, #tpu.memory_space<vmem>>) semaphore(%arg14 : memref<!tpu.dma_semaphore, #tpu.memory_space<semaphore_mem>>)
      %mul3A_702 = arith.constant 6 : i32
      %mul3A_703 = arith.muli %scan3A_386, %mul3A_702 : i32
      %add3A_704 = arith.constant 5 : i32
      %add3A_705 = arith.addi %mul3A_703, %add3A_704 : i32
      %dma_wait3A_706 = arith.constant 256 : i32
      %dma_wait3A_707 = arith.constant 0 : i32
      %dma_wait3A_708 = tpu.memref_slice %arg11[%dma_wait3A_706, %dma_wait3A_707] : memref<384x128xf32, #tpu.memory_space<vmem>> -> memref<128x128xf32, #tpu.memory_space<vmem>>
      %dma_wait3A_709 = arith.constant 0 : i32
      %dma_wait3A_710 = arith.constant 0 : i32
      %dma_wait3A_711 = tpu.memref_slice %arg2[%dma_wait3A_709, %dma_wait3A_710] : memref<10000x128xf32, #tpu.memory_space<hbm>> -> memref<128x128xf32, #tpu.memory_space<hbm>>
      %dma_wait3A_712 = arith.constant 256 : i32
      %dma_wait3A_713 = arith.constant 0 : i32
      %dma_wait3A_714 = tpu.memref_slice %arg11[%dma_wait3A_712, %dma_wait3A_713] : memref<384x128xf32, #tpu.memory_space<vmem>> -> memref<128x128xf32, #tpu.memory_space<vmem>>
      %dma_wait3A_715 = arith.constant 0 : i32
      %dma_wait3A_716 = arith.constant 0 : i32
      %dma_wait3A_717 = tpu.memref_slice %arg2[%dma_wait3A_715, %dma_wait3A_716] : memref<10000x128xf32, #tpu.memory_space<hbm>> -> memref<128x128xf32, #tpu.memory_space<hbm>>
      tpu.wait_dma2 semaphore(%arg15 : memref<!tpu.dma_semaphore, #tpu.memory_space<semaphore_mem>>) src(%dma_wait3A_717 : memref<128x128xf32, #tpu.memory_space<hbm>>) dst(%dma_wait3A_714 : memref<128x128xf32, #tpu.memory_space<vmem>>)
      %dma_start3A_718 = arith.constant 1 : i32
      %dma_start3A_719 = arith.constant 256 : i32
      %dma_start3A_720 = arith.constant 0 : i32
      %dma_start3A_721 = tpu.memref_slice %arg11[%dma_start3A_719, %dma_start3A_720] : memref<384x128xf32, #tpu.memory_space<vmem>> -> memref<128x128xf32, #tpu.memory_space<vmem>>
      %dma_start3A_722 = arith.constant 0 : i32
      %dma_start3A_723 = tpu.memref_slice %arg10[%dma_start3A_718, %dma_start3A_722] : memref<2x128xi32, #tpu.memory_space<vmem>> -> memref<1x128xi32, #tpu.memory_space<vmem>>
      %dma_start3A_724 = tpu.memref_squeeze %dma_start3A_723 : memref<1x128xi32, #tpu.memory_space<vmem>> -> memref<128xi32, #tpu.memory_space<vmem>>
      %dma_start3A_725 = arith.constant 0 : i32
      %dma_start3A_726 = arith.constant 0 : i32
      %dma_start3A_727 = tpu.memref_slice %arg12[%dma_start3A_725, %dma_start3A_726] : memref<10000x128xf32, #tpu.memory_space<vmem_shared>> -> memref<10000x128xf32, #tpu.memory_space<vmem_shared>>
      tpu.enqueue_indirect_dma source(%dma_start3A_721 : memref<128x128xf32, #tpu.memory_space<vmem>>) target(%dma_start3A_727 : memref<10000x128xf32, #tpu.memory_space<vmem_shared>>) offsets(%dma_start3A_724 : memref<128xi32, #tpu.memory_space<vmem>>) semaphore(%arg24 : memref<!tpu.dma_semaphore, #tpu.memory_space<semaphore_mem>>) {add = true}
      %add3A_728 = arith.constant 6 : i32
      %add3A_729 = arith.addi %add3A_705, %add3A_728 : i32
      %add3A_730 = arith.addi %mul3A_2, %add3A_729 : i32
      %mul3A_731 = arith.constant 128 : i32
      %mul3A_732 = arith.muli %add3A_730, %mul3A_731 : i32
      %dma_start3A_733 = arith.constant 0 : i32
      %dma_start3A_734 = tpu.memref_slice %arg3[%dma_start3A_733, %mul3A_732] : memref<2x320000xi32, #tpu.memory_space<hbm>> -> memref<2x128xi32, #tpu.memory_space<hbm>>
      %dma_start3A_735 = arith.constant 0 : i32
      %dma_start3A_736 = tpu.memref_slice %arg3[%dma_start3A_735, %mul3A_732] : memref<2x320000xi32, #tpu.memory_space<hbm>> -> memref<2x128xi32, #tpu.memory_space<hbm>>
      tpu.enqueue_dma source(%dma_start3A_736 : memref<2x128xi32, #tpu.memory_space<hbm>>) target(%arg10 : memref<2x128xi32, #tpu.memory_space<vmem>>) target_semaphore(%arg21 : memref<!tpu.dma_semaphore, #tpu.memory_space<semaphore_mem>>)
      %dma_wait3A_737 = arith.constant 0 : i32
      %dma_wait3A_738 = arith.constant 0 : i32
      %dma_wait3A_739 = tpu.memref_slice %arg3[%dma_wait3A_737, %dma_wait3A_738] : memref<2x320000xi32, #tpu.memory_space<hbm>> -> memref<2x128xi32, #tpu.memory_space<hbm>>
      %dma_wait3A_740 = arith.constant 0 : i32
      %dma_wait3A_741 = arith.constant 0 : i32
      %dma_wait3A_742 = tpu.memref_slice %arg3[%dma_wait3A_740, %dma_wait3A_741] : memref<2x320000xi32, #tpu.memory_space<hbm>> -> memref<2x128xi32, #tpu.memory_space<hbm>>
      tpu.wait_dma2 semaphore(%arg18 : memref<!tpu.dma_semaphore, #tpu.memory_space<semaphore_mem>>) src(%dma_wait3A_742 : memref<2x128xi32, #tpu.memory_space<hbm>>) dst(%arg7 : memref<2x128xi32, #tpu.memory_space<vmem>>)
      %dma_wait3A_743 = arith.constant 256 : i32
      %dma_wait3A_744 = arith.constant 0 : i32
      %dma_wait3A_745 = tpu.memref_slice %arg11[%dma_wait3A_743, %dma_wait3A_744] : memref<384x128xf32, #tpu.memory_space<vmem>> -> memref<128x128xf32, #tpu.memory_space<vmem>>
      %dma_wait3A_746 = arith.constant 0 : i32
      %dma_wait3A_747 = arith.constant 0 : i32
      %dma_wait3A_748 = tpu.memref_slice %arg2[%dma_wait3A_746, %dma_wait3A_747] : memref<10000x128xf32, #tpu.memory_space<hbm>> -> memref<128x128xf32, #tpu.memory_space<hbm>>
      %dma_wait3A_749 = arith.constant 256 : i32
      %dma_wait3A_750 = arith.constant 0 : i32
      %dma_wait3A_751 = tpu.memref_slice %arg11[%dma_wait3A_749, %dma_wait3A_750] : memref<384x128xf32, #tpu.memory_space<vmem>> -> memref<128x128xf32, #tpu.memory_space<vmem>>
      %dma_wait3A_752 = arith.constant 0 : i32
      %dma_wait3A_753 = arith.constant 0 : i32
      %dma_wait3A_754 = tpu.memref_slice %arg2[%dma_wait3A_752, %dma_wait3A_753] : memref<10000x128xf32, #tpu.memory_space<hbm>> -> memref<128x128xf32, #tpu.memory_space<hbm>>
      tpu.wait_dma2 semaphore(%arg24 : memref<!tpu.dma_semaphore, #tpu.memory_space<semaphore_mem>>) src(%dma_wait3A_754 : memref<128x128xf32, #tpu.memory_space<hbm>>) dst(%dma_wait3A_751 : memref<128x128xf32, #tpu.memory_space<vmem>>)
      %dma_start3A_755 = arith.constant 0 : i32
      %dma_start3A_756 = arith.constant 256 : i32
      %dma_start3A_757 = arith.constant 0 : i32
      %dma_start3A_758 = tpu.memref_slice %arg11[%dma_start3A_756, %dma_start3A_757] : memref<384x128xf32, #tpu.memory_space<vmem>> -> memref<128x128xf32, #tpu.memory_space<vmem>>
      %dma_start3A_759 = arith.constant 0 : i32
      %dma_start3A_760 = tpu.memref_slice %arg7[%dma_start3A_755, %dma_start3A_759] : memref<2x128xi32, #tpu.memory_space<vmem>> -> memref<1x128xi32, #tpu.memory_space<vmem>>
      %dma_start3A_761 = tpu.memref_squeeze %dma_start3A_760 : memref<1x128xi32, #tpu.memory_space<vmem>> -> memref<128xi32, #tpu.memory_space<vmem>>
      %dma_start3A_762 = arith.constant 0 : i32
      %dma_start3A_763 = arith.constant 0 : i32
      %dma_start3A_764 = tpu.memref_slice %arg2[%dma_start3A_762, %dma_start3A_763] : memref<10000x128xf32, #tpu.memory_space<hbm>> -> memref<10000x128xf32, #tpu.memory_space<hbm>>
      tpu.enqueue_indirect_dma source(%dma_start3A_764 : memref<10000x128xf32, #tpu.memory_space<hbm>>) target(%dma_start3A_758 : memref<128x128xf32, #tpu.memory_space<vmem>>) offsets(%dma_start3A_761 : memref<128xi32, #tpu.memory_space<vmem>>) semaphore(%arg15 : memref<!tpu.dma_semaphore, #tpu.memory_space<semaphore_mem>>)
    }
    %scan3A_120 = arith.constant 12 : i32
    %dma_wait3A_121 = arith.constant 0 : i32
    %dma_wait3A_122 = arith.constant 0 : i32
    %dma_wait3A_123 = tpu.memref_slice %arg11[%dma_wait3A_121, %dma_wait3A_122] : memref<384x128xf32, #tpu.memory_space<vmem>> -> memref<128x128xf32, #tpu.memory_space<vmem>>
    %dma_wait3A_124 = arith.constant 0 : i32
    %dma_wait3A_125 = arith.constant 0 : i32
    %dma_wait3A_126 = tpu.memref_slice %arg2[%dma_wait3A_124, %dma_wait3A_125] : memref<10000x128xf32, #tpu.memory_space<hbm>> -> memref<128x128xf32, #tpu.memory_space<hbm>>
    %dma_wait3A_127 = arith.constant 0 : i32
    %dma_wait3A_128 = arith.constant 0 : i32
    %dma_wait3A_129 = tpu.memref_slice %arg11[%dma_wait3A_127, %dma_wait3A_128] : memref<384x128xf32, #tpu.memory_space<vmem>> -> memref<128x128xf32, #tpu.memory_space<vmem>>
    %dma_wait3A_130 = arith.constant 0 : i32
    %dma_wait3A_131 = arith.constant 0 : i32
    %dma_wait3A_132 = tpu.memref_slice %arg2[%dma_wait3A_130, %dma_wait3A_131] : memref<10000x128xf32, #tpu.memory_space<hbm>> -> memref<128x128xf32, #tpu.memory_space<hbm>>
    tpu.wait_dma2 semaphore(%arg13 : memref<!tpu.dma_semaphore, #tpu.memory_space<semaphore_mem>>) src(%dma_wait3A_132 : memref<128x128xf32, #tpu.memory_space<hbm>>) dst(%dma_wait3A_129 : memref<128x128xf32, #tpu.memory_space<vmem>>)
    %dma_start3A_133 = arith.constant 1 : i32
    %dma_start3A_134 = arith.constant 0 : i32
    %dma_start3A_135 = arith.constant 0 : i32
    %dma_start3A_136 = tpu.memref_slice %arg11[%dma_start3A_134, %dma_start3A_135] : memref<384x128xf32, #tpu.memory_space<vmem>> -> memref<128x128xf32, #tpu.memory_space<vmem>>
    %dma_start3A_137 = arith.constant 0 : i32
    %dma_start3A_138 = tpu.memref_slice %arg5[%dma_start3A_133, %dma_start3A_137] : memref<2x128xi32, #tpu.memory_space<vmem>> -> memref<1x128xi32, #tpu.memory_space<vmem>>
    %dma_start3A_139 = tpu.memref_squeeze %dma_start3A_138 : memref<1x128xi32, #tpu.memory_space<vmem>> -> memref<128xi32, #tpu.memory_space<vmem>>
    %dma_start3A_140 = arith.constant 0 : i32
    %dma_start3A_141 = arith.constant 0 : i32
    %dma_start3A_142 = tpu.memref_slice %arg12[%dma_start3A_140, %dma_start3A_141] : memref<10000x128xf32, #tpu.memory_space<vmem_shared>> -> memref<10000x128xf32, #tpu.memory_space<vmem_shared>>
    tpu.enqueue_indirect_dma source(%dma_start3A_136 : memref<128x128xf32, #tpu.memory_space<vmem>>) target(%dma_start3A_142 : memref<10000x128xf32, #tpu.memory_space<vmem_shared>>) offsets(%dma_start3A_139 : memref<128xi32, #tpu.memory_space<vmem>>) semaphore(%arg22 : memref<!tpu.dma_semaphore, #tpu.memory_space<semaphore_mem>>) {add = true}
    %dma_wait3A_143 = arith.constant 0 : i32
    %dma_wait3A_144 = arith.constant 0 : i32
    %dma_wait3A_145 = tpu.memref_slice %arg3[%dma_wait3A_143, %dma_wait3A_144] : memref<2x320000xi32, #tpu.memory_space<hbm>> -> memref<2x128xi32, #tpu.memory_space<hbm>>
    %dma_wait3A_146 = arith.constant 0 : i32
    %dma_wait3A_147 = arith.constant 0 : i32
    %dma_wait3A_148 = tpu.memref_slice %arg3[%dma_wait3A_146, %dma_wait3A_147] : memref<2x320000xi32, #tpu.memory_space<hbm>> -> memref<2x128xi32, #tpu.memory_space<hbm>>
    tpu.wait_dma2 semaphore(%arg19 : memref<!tpu.dma_semaphore, #tpu.memory_space<semaphore_mem>>) src(%dma_wait3A_148 : memref<2x128xi32, #tpu.memory_space<hbm>>) dst(%arg8 : memref<2x128xi32, #tpu.memory_space<vmem>>)
    %dma_wait3A_149 = arith.constant 0 : i32
    %dma_wait3A_150 = arith.constant 0 : i32
    %dma_wait3A_151 = tpu.memref_slice %arg11[%dma_wait3A_149, %dma_wait3A_150] : memref<384x128xf32, #tpu.memory_space<vmem>> -> memref<128x128xf32, #tpu.memory_space<vmem>>
    %dma_wait3A_152 = arith.constant 0 : i32
    %dma_wait3A_153 = arith.constant 0 : i32
    %dma_wait3A_154 = tpu.memref_slice %arg2[%dma_wait3A_152, %dma_wait3A_153] : memref<10000x128xf32, #tpu.memory_space<hbm>> -> memref<128x128xf32, #tpu.memory_space<hbm>>
    %dma_wait3A_155 = arith.constant 0 : i32
    %dma_wait3A_156 = arith.constant 0 : i32
    %dma_wait3A_157 = tpu.memref_slice %arg11[%dma_wait3A_155, %dma_wait3A_156] : memref<384x128xf32, #tpu.memory_space<vmem>> -> memref<128x128xf32, #tpu.memory_space<vmem>>
    %dma_wait3A_158 = arith.constant 0 : i32
    %dma_wait3A_159 = arith.constant 0 : i32
    %dma_wait3A_160 = tpu.memref_slice %arg2[%dma_wait3A_158, %dma_wait3A_159] : memref<10000x128xf32, #tpu.memory_space<hbm>> -> memref<128x128xf32, #tpu.memory_space<hbm>>
    tpu.wait_dma2 semaphore(%arg22 : memref<!tpu.dma_semaphore, #tpu.memory_space<semaphore_mem>>) src(%dma_wait3A_160 : memref<128x128xf32, #tpu.memory_space<hbm>>) dst(%dma_wait3A_157 : memref<128x128xf32, #tpu.memory_space<vmem>>)
    %dma_start3A_161 = arith.constant 0 : i32
    %dma_start3A_162 = arith.constant 0 : i32
    %dma_start3A_163 = arith.constant 0 : i32
    %dma_start3A_164 = tpu.memref_slice %arg11[%dma_start3A_162, %dma_start3A_163] : memref<384x128xf32, #tpu.memory_space<vmem>> -> memref<128x128xf32, #tpu.memory_space<vmem>>
    %dma_start3A_165 = arith.constant 0 : i32
    %dma_start3A_166 = tpu.memref_slice %arg8[%dma_start3A_161, %dma_start3A_165] : memref<2x128xi32, #tpu.memory_space<vmem>> -> memref<1x128xi32, #tpu.memory_space<vmem>>
    %dma_start3A_167 = tpu.memref_squeeze %dma_start3A_166 : memref<1x128xi32, #tpu.memory_space<vmem>> -> memref<128xi32, #tpu.memory_space<vmem>>
    %dma_start3A_168 = arith.constant 0 : i32
    %dma_start3A_169 = arith.constant 0 : i32
    %dma_start3A_170 = tpu.memref_slice %arg2[%dma_start3A_168, %dma_start3A_169] : memref<10000x128xf32, #tpu.memory_space<hbm>> -> memref<10000x128xf32, #tpu.memory_space<hbm>>
    tpu.enqueue_indirect_dma source(%dma_start3A_170 : memref<10000x128xf32, #tpu.memory_space<hbm>>) target(%dma_start3A_164 : memref<128x128xf32, #tpu.memory_space<vmem>>) offsets(%dma_start3A_167 : memref<128xi32, #tpu.memory_space<vmem>>) semaphore(%arg13 : memref<!tpu.dma_semaphore, #tpu.memory_space<semaphore_mem>>)
    %dma_wait3A_171 = arith.constant 128 : i32
    %dma_wait3A_172 = arith.constant 0 : i32
    %dma_wait3A_173 = tpu.memref_slice %arg11[%dma_wait3A_171, %dma_wait3A_172] : memref<384x128xf32, #tpu.memory_space<vmem>> -> memref<128x128xf32, #tpu.memory_space<vmem>>
    %dma_wait3A_174 = arith.constant 0 : i32
    %dma_wait3A_175 = arith.constant 0 : i32
    %dma_wait3A_176 = tpu.memref_slice %arg2[%dma_wait3A_174, %dma_wait3A_175] : memref<10000x128xf32, #tpu.memory_space<hbm>> -> memref<128x128xf32, #tpu.memory_space<hbm>>
    %dma_wait3A_177 = arith.constant 128 : i32
    %dma_wait3A_178 = arith.constant 0 : i32
    %dma_wait3A_179 = tpu.memref_slice %arg11[%dma_wait3A_177, %dma_wait3A_178] : memref<384x128xf32, #tpu.memory_space<vmem>> -> memref<128x128xf32, #tpu.memory_space<vmem>>
    %dma_wait3A_180 = arith.constant 0 : i32
    %dma_wait3A_181 = arith.constant 0 : i32
    %dma_wait3A_182 = tpu.memref_slice %arg2[%dma_wait3A_180, %dma_wait3A_181] : memref<10000x128xf32, #tpu.memory_space<hbm>> -> memref<128x128xf32, #tpu.memory_space<hbm>>
    tpu.wait_dma2 semaphore(%arg14 : memref<!tpu.dma_semaphore, #tpu.memory_space<semaphore_mem>>) src(%dma_wait3A_182 : memref<128x128xf32, #tpu.memory_space<hbm>>) dst(%dma_wait3A_179 : memref<128x128xf32, #tpu.memory_space<vmem>>)
    %dma_start3A_183 = arith.constant 1 : i32
    %dma_start3A_184 = arith.constant 128 : i32
    %dma_start3A_185 = arith.constant 0 : i32
    %dma_start3A_186 = tpu.memref_slice %arg11[%dma_start3A_184, %dma_start3A_185] : memref<384x128xf32, #tpu.memory_space<vmem>> -> memref<128x128xf32, #tpu.memory_space<vmem>>
    %dma_start3A_187 = arith.constant 0 : i32
    %dma_start3A_188 = tpu.memref_slice %arg6[%dma_start3A_183, %dma_start3A_187] : memref<2x128xi32, #tpu.memory_space<vmem>> -> memref<1x128xi32, #tpu.memory_space<vmem>>
    %dma_start3A_189 = tpu.memref_squeeze %dma_start3A_188 : memref<1x128xi32, #tpu.memory_space<vmem>> -> memref<128xi32, #tpu.memory_space<vmem>>
    %dma_start3A_190 = arith.constant 0 : i32
    %dma_start3A_191 = arith.constant 0 : i32
    %dma_start3A_192 = tpu.memref_slice %arg12[%dma_start3A_190, %dma_start3A_191] : memref<10000x128xf32, #tpu.memory_space<vmem_shared>> -> memref<10000x128xf32, #tpu.memory_space<vmem_shared>>
    tpu.enqueue_indirect_dma source(%dma_start3A_186 : memref<128x128xf32, #tpu.memory_space<vmem>>) target(%dma_start3A_192 : memref<10000x128xf32, #tpu.memory_space<vmem_shared>>) offsets(%dma_start3A_189 : memref<128xi32, #tpu.memory_space<vmem>>) semaphore(%arg23 : memref<!tpu.dma_semaphore, #tpu.memory_space<semaphore_mem>>) {add = true}
    %dma_wait3A_193 = arith.constant 0 : i32
    %dma_wait3A_194 = arith.constant 0 : i32
    %dma_wait3A_195 = tpu.memref_slice %arg3[%dma_wait3A_193, %dma_wait3A_194] : memref<2x320000xi32, #tpu.memory_space<hbm>> -> memref<2x128xi32, #tpu.memory_space<hbm>>
    %dma_wait3A_196 = arith.constant 0 : i32
    %dma_wait3A_197 = arith.constant 0 : i32
    %dma_wait3A_198 = tpu.memref_slice %arg3[%dma_wait3A_196, %dma_wait3A_197] : memref<2x320000xi32, #tpu.memory_space<hbm>> -> memref<2x128xi32, #tpu.memory_space<hbm>>
    tpu.wait_dma2 semaphore(%arg20 : memref<!tpu.dma_semaphore, #tpu.memory_space<semaphore_mem>>) src(%dma_wait3A_198 : memref<2x128xi32, #tpu.memory_space<hbm>>) dst(%arg9 : memref<2x128xi32, #tpu.memory_space<vmem>>)
    %dma_wait3A_199 = arith.constant 128 : i32
    %dma_wait3A_200 = arith.constant 0 : i32
    %dma_wait3A_201 = tpu.memref_slice %arg11[%dma_wait3A_199, %dma_wait3A_200] : memref<384x128xf32, #tpu.memory_space<vmem>> -> memref<128x128xf32, #tpu.memory_space<vmem>>
    %dma_wait3A_202 = arith.constant 0 : i32
    %dma_wait3A_203 = arith.constant 0 : i32
    %dma_wait3A_204 = tpu.memref_slice %arg2[%dma_wait3A_202, %dma_wait3A_203] : memref<10000x128xf32, #tpu.memory_space<hbm>> -> memref<128x128xf32, #tpu.memory_space<hbm>>
    %dma_wait3A_205 = arith.constant 128 : i32
    %dma_wait3A_206 = arith.constant 0 : i32
    %dma_wait3A_207 = tpu.memref_slice %arg11[%dma_wait3A_205, %dma_wait3A_206] : memref<384x128xf32, #tpu.memory_space<vmem>> -> memref<128x128xf32, #tpu.memory_space<vmem>>
    %dma_wait3A_208 = arith.constant 0 : i32
    %dma_wait3A_209 = arith.constant 0 : i32
    %dma_wait3A_210 = tpu.memref_slice %arg2[%dma_wait3A_208, %dma_wait3A_209] : memref<10000x128xf32, #tpu.memory_space<hbm>> -> memref<128x128xf32, #tpu.memory_space<hbm>>
    tpu.wait_dma2 semaphore(%arg23 : memref<!tpu.dma_semaphore, #tpu.memory_space<semaphore_mem>>) src(%dma_wait3A_210 : memref<128x128xf32, #tpu.memory_space<hbm>>) dst(%dma_wait3A_207 : memref<128x128xf32, #tpu.memory_space<vmem>>)
    %dma_start3A_211 = arith.constant 0 : i32
    %dma_start3A_212 = arith.constant 128 : i32
    %dma_start3A_213 = arith.constant 0 : i32
    %dma_start3A_214 = tpu.memref_slice %arg11[%dma_start3A_212, %dma_start3A_213] : memref<384x128xf32, #tpu.memory_space<vmem>> -> memref<128x128xf32, #tpu.memory_space<vmem>>
    %dma_start3A_215 = arith.constant 0 : i32
    %dma_start3A_216 = tpu.memref_slice %arg9[%dma_start3A_211, %dma_start3A_215] : memref<2x128xi32, #tpu.memory_space<vmem>> -> memref<1x128xi32, #tpu.memory_space<vmem>>
    %dma_start3A_217 = tpu.memref_squeeze %dma_start3A_216 : memref<1x128xi32, #tpu.memory_space<vmem>> -> memref<128xi32, #tpu.memory_space<vmem>>
    %dma_start3A_218 = arith.constant 0 : i32
    %dma_start3A_219 = arith.constant 0 : i32
    %dma_start3A_220 = tpu.memref_slice %arg2[%dma_start3A_218, %dma_start3A_219] : memref<10000x128xf32, #tpu.memory_space<hbm>> -> memref<10000x128xf32, #tpu.memory_space<hbm>>
    tpu.enqueue_indirect_dma source(%dma_start3A_220 : memref<10000x128xf32, #tpu.memory_space<hbm>>) target(%dma_start3A_214 : memref<128x128xf32, #tpu.memory_space<vmem>>) offsets(%dma_start3A_217 : memref<128xi32, #tpu.memory_space<vmem>>) semaphore(%arg14 : memref<!tpu.dma_semaphore, #tpu.memory_space<semaphore_mem>>)
    %dma_wait3A_221 = arith.constant 256 : i32
    %dma_wait3A_222 = arith.constant 0 : i32
    %dma_wait3A_223 = tpu.memref_slice %arg11[%dma_wait3A_221, %dma_wait3A_222] : memref<384x128xf32, #tpu.memory_space<vmem>> -> memref<128x128xf32, #tpu.memory_space<vmem>>
    %dma_wait3A_224 = arith.constant 0 : i32
    %dma_wait3A_225 = arith.constant 0 : i32
    %dma_wait3A_226 = tpu.memref_slice %arg2[%dma_wait3A_224, %dma_wait3A_225] : memref<10000x128xf32, #tpu.memory_space<hbm>> -> memref<128x128xf32, #tpu.memory_space<hbm>>
    %dma_wait3A_227 = arith.constant 256 : i32
    %dma_wait3A_228 = arith.constant 0 : i32
    %dma_wait3A_229 = tpu.memref_slice %arg11[%dma_wait3A_227, %dma_wait3A_228] : memref<384x128xf32, #tpu.memory_space<vmem>> -> memref<128x128xf32, #tpu.memory_space<vmem>>
    %dma_wait3A_230 = arith.constant 0 : i32
    %dma_wait3A_231 = arith.constant 0 : i32
    %dma_wait3A_232 = tpu.memref_slice %arg2[%dma_wait3A_230, %dma_wait3A_231] : memref<10000x128xf32, #tpu.memory_space<hbm>> -> memref<128x128xf32, #tpu.memory_space<hbm>>
    tpu.wait_dma2 semaphore(%arg15 : memref<!tpu.dma_semaphore, #tpu.memory_space<semaphore_mem>>) src(%dma_wait3A_232 : memref<128x128xf32, #tpu.memory_space<hbm>>) dst(%dma_wait3A_229 : memref<128x128xf32, #tpu.memory_space<vmem>>)
    %dma_start3A_233 = arith.constant 1 : i32
    %dma_start3A_234 = arith.constant 256 : i32
    %dma_start3A_235 = arith.constant 0 : i32
    %dma_start3A_236 = tpu.memref_slice %arg11[%dma_start3A_234, %dma_start3A_235] : memref<384x128xf32, #tpu.memory_space<vmem>> -> memref<128x128xf32, #tpu.memory_space<vmem>>
    %dma_start3A_237 = arith.constant 0 : i32
    %dma_start3A_238 = tpu.memref_slice %arg7[%dma_start3A_233, %dma_start3A_237] : memref<2x128xi32, #tpu.memory_space<vmem>> -> memref<1x128xi32, #tpu.memory_space<vmem>>
    %dma_start3A_239 = tpu.memref_squeeze %dma_start3A_238 : memref<1x128xi32, #tpu.memory_space<vmem>> -> memref<128xi32, #tpu.memory_space<vmem>>
    %dma_start3A_240 = arith.constant 0 : i32
    %dma_start3A_241 = arith.constant 0 : i32
    %dma_start3A_242 = tpu.memref_slice %arg12[%dma_start3A_240, %dma_start3A_241] : memref<10000x128xf32, #tpu.memory_space<vmem_shared>> -> memref<10000x128xf32, #tpu.memory_space<vmem_shared>>
    tpu.enqueue_indirect_dma source(%dma_start3A_236 : memref<128x128xf32, #tpu.memory_space<vmem>>) target(%dma_start3A_242 : memref<10000x128xf32, #tpu.memory_space<vmem_shared>>) offsets(%dma_start3A_239 : memref<128xi32, #tpu.memory_space<vmem>>) semaphore(%arg24 : memref<!tpu.dma_semaphore, #tpu.memory_space<semaphore_mem>>) {add = true}
    %dma_wait3A_243 = arith.constant 0 : i32
    %dma_wait3A_244 = arith.constant 0 : i32
    %dma_wait3A_245 = tpu.memref_slice %arg3[%dma_wait3A_243, %dma_wait3A_244] : memref<2x320000xi32, #tpu.memory_space<hbm>> -> memref<2x128xi32, #tpu.memory_space<hbm>>
    %dma_wait3A_246 = arith.constant 0 : i32
    %dma_wait3A_247 = arith.constant 0 : i32
    %dma_wait3A_248 = tpu.memref_slice %arg3[%dma_wait3A_246, %dma_wait3A_247] : memref<2x320000xi32, #tpu.memory_space<hbm>> -> memref<2x128xi32, #tpu.memory_space<hbm>>
    tpu.wait_dma2 semaphore(%arg21 : memref<!tpu.dma_semaphore, #tpu.memory_space<semaphore_mem>>) src(%dma_wait3A_248 : memref<2x128xi32, #tpu.memory_space<hbm>>) dst(%arg10 : memref<2x128xi32, #tpu.memory_space<vmem>>)
    %dma_wait3A_249 = arith.constant 256 : i32
    %dma_wait3A_250 = arith.constant 0 : i32
    %dma_wait3A_251 = tpu.memref_slice %arg11[%dma_wait3A_249, %dma_wait3A_250] : memref<384x128xf32, #tpu.memory_space<vmem>> -> memref<128x128xf32, #tpu.memory_space<vmem>>
    %dma_wait3A_252 = arith.constant 0 : i32
    %dma_wait3A_253 = arith.constant 0 : i32
    %dma_wait3A_254 = tpu.memref_slice %arg2[%dma_wait3A_252, %dma_wait3A_253] : memref<10000x128xf32, #tpu.memory_space<hbm>> -> memref<128x128xf32, #tpu.memory_space<hbm>>
    %dma_wait3A_255 = arith.constant 256 : i32
    %dma_wait3A_256 = arith.constant 0 : i32
    %dma_wait3A_257 = tpu.memref_slice %arg11[%dma_wait3A_255, %dma_wait3A_256] : memref<384x128xf32, #tpu.memory_space<vmem>> -> memref<128x128xf32, #tpu.memory_space<vmem>>
    %dma_wait3A_258 = arith.constant 0 : i32
    %dma_wait3A_259 = arith.constant 0 : i32
    %dma_wait3A_260 = tpu.memref_slice %arg2[%dma_wait3A_258, %dma_wait3A_259] : memref<10000x128xf32, #tpu.memory_space<hbm>> -> memref<128x128xf32, #tpu.memory_space<hbm>>
    tpu.wait_dma2 semaphore(%arg24 : memref<!tpu.dma_semaphore, #tpu.memory_space<semaphore_mem>>) src(%dma_wait3A_260 : memref<128x128xf32, #tpu.memory_space<hbm>>) dst(%dma_wait3A_257 : memref<128x128xf32, #tpu.memory_space<vmem>>)
    %dma_start3A_261 = arith.constant 0 : i32
    %dma_start3A_262 = arith.constant 256 : i32
    %dma_start3A_263 = arith.constant 0 : i32
    %dma_start3A_264 = tpu.memref_slice %arg11[%dma_start3A_262, %dma_start3A_263] : memref<384x128xf32, #tpu.memory_space<vmem>> -> memref<128x128xf32, #tpu.memory_space<vmem>>
    %dma_start3A_265 = arith.constant 0 : i32
    %dma_start3A_266 = tpu.memref_slice %arg10[%dma_start3A_261, %dma_start3A_265] : memref<2x128xi32, #tpu.memory_space<vmem>> -> memref<1x128xi32, #tpu.memory_space<vmem>>
    %dma_start3A_267 = tpu.memref_squeeze %dma_start3A_266 : memref<1x128xi32, #tpu.memory_space<vmem>> -> memref<128xi32, #tpu.memory_space<vmem>>
    %dma_start3A_268 = arith.constant 0 : i32
    %dma_start3A_269 = arith.constant 0 : i32
    %dma_start3A_270 = tpu.memref_slice %arg2[%dma_start3A_268, %dma_start3A_269] : memref<10000x128xf32, #tpu.memory_space<hbm>> -> memref<10000x128xf32, #tpu.memory_space<hbm>>
    tpu.enqueue_indirect_dma source(%dma_start3A_270 : memref<10000x128xf32, #tpu.memory_space<hbm>>) target(%dma_start3A_264 : memref<128x128xf32, #tpu.memory_space<vmem>>) offsets(%dma_start3A_267 : memref<128xi32, #tpu.memory_space<vmem>>) semaphore(%arg15 : memref<!tpu.dma_semaphore, #tpu.memory_space<semaphore_mem>>)
    %dma_wait3A_271 = arith.constant 0 : i32
    %dma_wait3A_272 = arith.constant 0 : i32
    %dma_wait3A_273 = tpu.memref_slice %arg11[%dma_wait3A_271, %dma_wait3A_272] : memref<384x128xf32, #tpu.memory_space<vmem>> -> memref<128x128xf32, #tpu.memory_space<vmem>>
    %dma_wait3A_274 = arith.constant 0 : i32
    %dma_wait3A_275 = arith.constant 0 : i32
    %dma_wait3A_276 = tpu.memref_slice %arg2[%dma_wait3A_274, %dma_wait3A_275] : memref<10000x128xf32, #tpu.memory_space<hbm>> -> memref<128x128xf32, #tpu.memory_space<hbm>>
    %dma_wait3A_277 = arith.constant 0 : i32
    %dma_wait3A_278 = arith.constant 0 : i32
    %dma_wait3A_279 = tpu.memref_slice %arg11[%dma_wait3A_277, %dma_wait3A_278] : memref<384x128xf32, #tpu.memory_space<vmem>> -> memref<128x128xf32, #tpu.memory_space<vmem>>
    %dma_wait3A_280 = arith.constant 0 : i32
    %dma_wait3A_281 = arith.constant 0 : i32
    %dma_wait3A_282 = tpu.memref_slice %arg2[%dma_wait3A_280, %dma_wait3A_281] : memref<10000x128xf32, #tpu.memory_space<hbm>> -> memref<128x128xf32, #tpu.memory_space<hbm>>
    tpu.wait_dma2 semaphore(%arg13 : memref<!tpu.dma_semaphore, #tpu.memory_space<semaphore_mem>>) src(%dma_wait3A_282 : memref<128x128xf32, #tpu.memory_space<hbm>>) dst(%dma_wait3A_279 : memref<128x128xf32, #tpu.memory_space<vmem>>)
    %dma_start3A_283 = arith.constant 1 : i32
    %dma_start3A_284 = arith.constant 0 : i32
    %dma_start3A_285 = arith.constant 0 : i32
    %dma_start3A_286 = tpu.memref_slice %arg11[%dma_start3A_284, %dma_start3A_285] : memref<384x128xf32, #tpu.memory_space<vmem>> -> memref<128x128xf32, #tpu.memory_space<vmem>>
    %dma_start3A_287 = arith.constant 0 : i32
    %dma_start3A_288 = tpu.memref_slice %arg8[%dma_start3A_283, %dma_start3A_287] : memref<2x128xi32, #tpu.memory_space<vmem>> -> memref<1x128xi32, #tpu.memory_space<vmem>>
    %dma_start3A_289 = tpu.memref_squeeze %dma_start3A_288 : memref<1x128xi32, #tpu.memory_space<vmem>> -> memref<128xi32, #tpu.memory_space<vmem>>
    %dma_start3A_290 = arith.constant 0 : i32
    %dma_start3A_291 = arith.constant 0 : i32
    %dma_start3A_292 = tpu.memref_slice %arg12[%dma_start3A_290, %dma_start3A_291] : memref<10000x128xf32, #tpu.memory_space<vmem_shared>> -> memref<10000x128xf32, #tpu.memory_space<vmem_shared>>
    tpu.enqueue_indirect_dma source(%dma_start3A_286 : memref<128x128xf32, #tpu.memory_space<vmem>>) target(%dma_start3A_292 : memref<10000x128xf32, #tpu.memory_space<vmem_shared>>) offsets(%dma_start3A_289 : memref<128xi32, #tpu.memory_space<vmem>>) semaphore(%arg22 : memref<!tpu.dma_semaphore, #tpu.memory_space<semaphore_mem>>) {add = true}
    %dma_wait3A_293 = arith.constant 0 : i32
    %dma_wait3A_294 = arith.constant 0 : i32
    %dma_wait3A_295 = tpu.memref_slice %arg11[%dma_wait3A_293, %dma_wait3A_294] : memref<384x128xf32, #tpu.memory_space<vmem>> -> memref<128x128xf32, #tpu.memory_space<vmem>>
    %dma_wait3A_296 = arith.constant 0 : i32
    %dma_wait3A_297 = arith.constant 0 : i32
    %dma_wait3A_298 = tpu.memref_slice %arg2[%dma_wait3A_296, %dma_wait3A_297] : memref<10000x128xf32, #tpu.memory_space<hbm>> -> memref<128x128xf32, #tpu.memory_space<hbm>>
    %dma_wait3A_299 = arith.constant 0 : i32
    %dma_wait3A_300 = arith.constant 0 : i32
    %dma_wait3A_301 = tpu.memref_slice %arg11[%dma_wait3A_299, %dma_wait3A_300] : memref<384x128xf32, #tpu.memory_space<vmem>> -> memref<128x128xf32, #tpu.memory_space<vmem>>
    %dma_wait3A_302 = arith.constant 0 : i32
    %dma_wait3A_303 = arith.constant 0 : i32
    %dma_wait3A_304 = tpu.memref_slice %arg2[%dma_wait3A_302, %dma_wait3A_303] : memref<10000x128xf32, #tpu.memory_space<hbm>> -> memref<128x128xf32, #tpu.memory_space<hbm>>
    tpu.wait_dma2 semaphore(%arg22 : memref<!tpu.dma_semaphore, #tpu.memory_space<semaphore_mem>>) src(%dma_wait3A_304 : memref<128x128xf32, #tpu.memory_space<hbm>>) dst(%dma_wait3A_301 : memref<128x128xf32, #tpu.memory_space<vmem>>)
    %dma_wait3A_305 = arith.constant 128 : i32
    %dma_wait3A_306 = arith.constant 0 : i32
    %dma_wait3A_307 = tpu.memref_slice %arg11[%dma_wait3A_305, %dma_wait3A_306] : memref<384x128xf32, #tpu.memory_space<vmem>> -> memref<128x128xf32, #tpu.memory_space<vmem>>
    %dma_wait3A_308 = arith.constant 0 : i32
    %dma_wait3A_309 = arith.constant 0 : i32
    %dma_wait3A_310 = tpu.memref_slice %arg2[%dma_wait3A_308, %dma_wait3A_309] : memref<10000x128xf32, #tpu.memory_space<hbm>> -> memref<128x128xf32, #tpu.memory_space<hbm>>
    %dma_wait3A_311 = arith.constant 128 : i32
    %dma_wait3A_312 = arith.constant 0 : i32
    %dma_wait3A_313 = tpu.memref_slice %arg11[%dma_wait3A_311, %dma_wait3A_312] : memref<384x128xf32, #tpu.memory_space<vmem>> -> memref<128x128xf32, #tpu.memory_space<vmem>>
    %dma_wait3A_314 = arith.constant 0 : i32
    %dma_wait3A_315 = arith.constant 0 : i32
    %dma_wait3A_316 = tpu.memref_slice %arg2[%dma_wait3A_314, %dma_wait3A_315] : memref<10000x128xf32, #tpu.memory_space<hbm>> -> memref<128x128xf32, #tpu.memory_space<hbm>>
    tpu.wait_dma2 semaphore(%arg14 : memref<!tpu.dma_semaphore, #tpu.memory_space<semaphore_mem>>) src(%dma_wait3A_316 : memref<128x128xf32, #tpu.memory_space<hbm>>) dst(%dma_wait3A_313 : memref<128x128xf32, #tpu.memory_space<vmem>>)
    %dma_start3A_317 = arith.constant 1 : i32
    %dma_start3A_318 = arith.constant 128 : i32
    %dma_start3A_319 = arith.constant 0 : i32
    %dma_start3A_320 = tpu.memref_slice %arg11[%dma_start3A_318, %dma_start3A_319] : memref<384x128xf32, #tpu.memory_space<vmem>> -> memref<128x128xf32, #tpu.memory_space<vmem>>
    %dma_start3A_321 = arith.constant 0 : i32
    %dma_start3A_322 = tpu.memref_slice %arg9[%dma_start3A_317, %dma_start3A_321] : memref<2x128xi32, #tpu.memory_space<vmem>> -> memref<1x128xi32, #tpu.memory_space<vmem>>
    %dma_start3A_323 = tpu.memref_squeeze %dma_start3A_322 : memref<1x128xi32, #tpu.memory_space<vmem>> -> memref<128xi32, #tpu.memory_space<vmem>>
    %dma_start3A_324 = arith.constant 0 : i32
    %dma_start3A_325 = arith.constant 0 : i32
    %dma_start3A_326 = tpu.memref_slice %arg12[%dma_start3A_324, %dma_start3A_325] : memref<10000x128xf32, #tpu.memory_space<vmem_shared>> -> memref<10000x128xf32, #tpu.memory_space<vmem_shared>>
    tpu.enqueue_indirect_dma source(%dma_start3A_320 : memref<128x128xf32, #tpu.memory_space<vmem>>) target(%dma_start3A_326 : memref<10000x128xf32, #tpu.memory_space<vmem_shared>>) offsets(%dma_start3A_323 : memref<128xi32, #tpu.memory_space<vmem>>) semaphore(%arg23 : memref<!tpu.dma_semaphore, #tpu.memory_space<semaphore_mem>>) {add = true}
    %dma_wait3A_327 = arith.constant 128 : i32
    %dma_wait3A_328 = arith.constant 0 : i32
    %dma_wait3A_329 = tpu.memref_slice %arg11[%dma_wait3A_327, %dma_wait3A_328] : memref<384x128xf32, #tpu.memory_space<vmem>> -> memref<128x128xf32, #tpu.memory_space<vmem>>
    %dma_wait3A_330 = arith.constant 0 : i32
    %dma_wait3A_331 = arith.constant 0 : i32
    %dma_wait3A_332 = tpu.memref_slice %arg2[%dma_wait3A_330, %dma_wait3A_331] : memref<10000x128xf32, #tpu.memory_space<hbm>> -> memref<128x128xf32, #tpu.memory_space<hbm>>
    %dma_wait3A_333 = arith.constant 128 : i32
    %dma_wait3A_334 = arith.constant 0 : i32
    %dma_wait3A_335 = tpu.memref_slice %arg11[%dma_wait3A_333, %dma_wait3A_334] : memref<384x128xf32, #tpu.memory_space<vmem>> -> memref<128x128xf32, #tpu.memory_space<vmem>>
    %dma_wait3A_336 = arith.constant 0 : i32
    %dma_wait3A_337 = arith.constant 0 : i32
    %dma_wait3A_338 = tpu.memref_slice %arg2[%dma_wait3A_336, %dma_wait3A_337] : memref<10000x128xf32, #tpu.memory_space<hbm>> -> memref<128x128xf32, #tpu.memory_space<hbm>>
    tpu.wait_dma2 semaphore(%arg23 : memref<!tpu.dma_semaphore, #tpu.memory_space<semaphore_mem>>) src(%dma_wait3A_338 : memref<128x128xf32, #tpu.memory_space<hbm>>) dst(%dma_wait3A_335 : memref<128x128xf32, #tpu.memory_space<vmem>>)
    %dma_wait3A_339 = arith.constant 256 : i32
    %dma_wait3A_340 = arith.constant 0 : i32
    %dma_wait3A_341 = tpu.memref_slice %arg11[%dma_wait3A_339, %dma_wait3A_340] : memref<384x128xf32, #tpu.memory_space<vmem>> -> memref<128x128xf32, #tpu.memory_space<vmem>>
    %dma_wait3A_342 = arith.constant 0 : i32
    %dma_wait3A_343 = arith.constant 0 : i32
    %dma_wait3A_344 = tpu.memref_slice %arg2[%dma_wait3A_342, %dma_wait3A_343] : memref<10000x128xf32, #tpu.memory_space<hbm>> -> memref<128x128xf32, #tpu.memory_space<hbm>>
    %dma_wait3A_345 = arith.constant 256 : i32
    %dma_wait3A_346 = arith.constant 0 : i32
    %dma_wait3A_347 = tpu.memref_slice %arg11[%dma_wait3A_345, %dma_wait3A_346] : memref<384x128xf32, #tpu.memory_space<vmem>> -> memref<128x128xf32, #tpu.memory_space<vmem>>
    %dma_wait3A_348 = arith.constant 0 : i32
    %dma_wait3A_349 = arith.constant 0 : i32
    %dma_wait3A_350 = tpu.memref_slice %arg2[%dma_wait3A_348, %dma_wait3A_349] : memref<10000x128xf32, #tpu.memory_space<hbm>> -> memref<128x128xf32, #tpu.memory_space<hbm>>
    tpu.wait_dma2 semaphore(%arg15 : memref<!tpu.dma_semaphore, #tpu.memory_space<semaphore_mem>>) src(%dma_wait3A_350 : memref<128x128xf32, #tpu.memory_space<hbm>>) dst(%dma_wait3A_347 : memref<128x128xf32, #tpu.memory_space<vmem>>)
    %dma_start3A_351 = arith.constant 1 : i32
    %dma_start3A_352 = arith.constant 256 : i32
    %dma_start3A_353 = arith.constant 0 : i32
    %dma_start3A_354 = tpu.memref_slice %arg11[%dma_start3A_352, %dma_start3A_353] : memref<384x128xf32, #tpu.memory_space<vmem>> -> memref<128x128xf32, #tpu.memory_space<vmem>>
    %dma_start3A_355 = arith.constant 0 : i32
    %dma_start3A_356 = tpu.memref_slice %arg10[%dma_start3A_351, %dma_start3A_355] : memref<2x128xi32, #tpu.memory_space<vmem>> -> memref<1x128xi32, #tpu.memory_space<vmem>>
    %dma_start3A_357 = tpu.memref_squeeze %dma_start3A_356 : memref<1x128xi32, #tpu.memory_space<vmem>> -> memref<128xi32, #tpu.memory_space<vmem>>
    %dma_start3A_358 = arith.constant 0 : i32
    %dma_start3A_359 = arith.constant 0 : i32
    %dma_start3A_360 = tpu.memref_slice %arg12[%dma_start3A_358, %dma_start3A_359] : memref<10000x128xf32, #tpu.memory_space<vmem_shared>> -> memref<10000x128xf32, #tpu.memory_space<vmem_shared>>
    tpu.enqueue_indirect_dma source(%dma_start3A_354 : memref<128x128xf32, #tpu.memory_space<vmem>>) target(%dma_start3A_360 : memref<10000x128xf32, #tpu.memory_space<vmem_shared>>) offsets(%dma_start3A_357 : memref<128xi32, #tpu.memory_space<vmem>>) semaphore(%arg24 : memref<!tpu.dma_semaphore, #tpu.memory_space<semaphore_mem>>) {add = true}
    %dma_wait3A_361 = arith.constant 256 : i32
    %dma_wait3A_362 = arith.constant 0 : i32
    %dma_wait3A_363 = tpu.memref_slice %arg11[%dma_wait3A_361, %dma_wait3A_362] : memref<384x128xf32, #tpu.memory_space<vmem>> -> memref<128x128xf32, #tpu.memory_space<vmem>>
    %dma_wait3A_364 = arith.constant 0 : i32
    %dma_wait3A_365 = arith.constant 0 : i32
    %dma_wait3A_366 = tpu.memref_slice %arg2[%dma_wait3A_364, %dma_wait3A_365] : memref<10000x128xf32, #tpu.memory_space<hbm>> -> memref<128x128xf32, #tpu.memory_space<hbm>>
    %dma_wait3A_367 = arith.constant 256 : i32
    %dma_wait3A_368 = arith.constant 0 : i32
    %dma_wait3A_369 = tpu.memref_slice %arg11[%dma_wait3A_367, %dma_wait3A_368] : memref<384x128xf32, #tpu.memory_space<vmem>> -> memref<128x128xf32, #tpu.memory_space<vmem>>
    %dma_wait3A_370 = arith.constant 0 : i32
    %dma_wait3A_371 = arith.constant 0 : i32
    %dma_wait3A_372 = tpu.memref_slice %arg2[%dma_wait3A_370, %dma_wait3A_371] : memref<10000x128xf32, #tpu.memory_space<hbm>> -> memref<128x128xf32, #tpu.memory_space<hbm>>
    tpu.wait_dma2 semaphore(%arg24 : memref<!tpu.dma_semaphore, #tpu.memory_space<semaphore_mem>>) src(%dma_wait3A_372 : memref<128x128xf32, #tpu.memory_space<hbm>>) dst(%dma_wait3A_369 : memref<128x128xf32, #tpu.memory_space<vmem>>)
    %lt3A = arith.constant 4 : i32
    %lt3A_373 = arith.cmpi slt, %add3A, %lt3A : i32
    %convert_element_type3A_374 = arith.extui %lt3A_373 : i1 to i32
    %cond3A_375 = arith.constant 0 : i32
    %cond3A_376 = arith.cmpi ne, %convert_element_type3A_374, %cond3A_375 : i32
    scf.if %cond3A_376 {
      %add3A_386 = arith.constant 2496 : i32
      %add3A_387 = arith.addi %add3A_386, %add3A : i32
      %mul3A_388 = arith.constant 128 : i32
      %mul3A_389 = arith.muli %add3A_387, %mul3A_388 : i32
      "tpu.region"() ({
        %run_scoped3A_410 = tpu.sem_alloc : memref<!tpu.dma_semaphore, #tpu.memory_space<semaphore_mem>>
        %dma_start3A_411 = arith.constant 0 : i32
        %dma_start3A_412 = tpu.memref_slice %arg3[%dma_start3A_411, %mul3A_389] : memref<2x320000xi32, #tpu.memory_space<hbm>> -> memref<2x128xi32, #tpu.memory_space<hbm>>
        %dma_start3A_413 = arith.constant 0 : i32
        %dma_start3A_414 = tpu.memref_slice %arg3[%dma_start3A_413, %mul3A_389] : memref<2x320000xi32, #tpu.memory_space<hbm>> -> memref<2x128xi32, #tpu.memory_space<hbm>>
        tpu.enqueue_dma source(%dma_start3A_414 : memref<2x128xi32, #tpu.memory_space<hbm>>) target(%arg5 : memref<2x128xi32, #tpu.memory_space<vmem>>) target_semaphore(%run_scoped3A_410 : memref<!tpu.dma_semaphore, #tpu.memory_space<semaphore_mem>>)
        %dma_wait3A_415 = arith.constant 0 : i32
        %dma_wait3A_416 = tpu.memref_slice %arg3[%dma_wait3A_415, %mul3A_389] : memref<2x320000xi32, #tpu.memory_space<hbm>> -> memref<2x128xi32, #tpu.memory_space<hbm>>
        %dma_wait3A_417 = arith.constant 0 : i32
        %dma_wait3A_418 = tpu.memref_slice %arg3[%dma_wait3A_417, %mul3A_389] : memref<2x320000xi32, #tpu.memory_space<hbm>> -> memref<2x128xi32, #tpu.memory_space<hbm>>
        tpu.wait_dma2 semaphore(%run_scoped3A_410 : memref<!tpu.dma_semaphore, #tpu.memory_space<semaphore_mem>>) src(%dma_wait3A_418 : memref<2x128xi32, #tpu.memory_space<hbm>>) dst(%arg5 : memref<2x128xi32, #tpu.memory_space<vmem>>)
        tpu.yield
      }) : () -> ()
      %dma_start3A_390 = arith.constant 0 : i32
      %dma_start3A_391 = arith.constant 0 : i32
      %dma_start3A_392 = arith.constant 0 : i32
      %dma_start3A_393 = tpu.memref_slice %arg11[%dma_start3A_391, %dma_start3A_392] : memref<384x128xf32, #tpu.memory_space<vmem>> -> memref<128x128xf32, #tpu.memory_space<vmem>>
      %dma_start3A_394 = arith.constant 0 : i32
      %dma_start3A_395 = tpu.memref_slice %arg5[%dma_start3A_390, %dma_start3A_394] : memref<2x128xi32, #tpu.memory_space<vmem>> -> memref<1x128xi32, #tpu.memory_space<vmem>>
      %dma_start3A_396 = tpu.memref_squeeze %dma_start3A_395 : memref<1x128xi32, #tpu.memory_space<vmem>> -> memref<128xi32, #tpu.memory_space<vmem>>
      %dma_start3A_397 = arith.constant 0 : i32
      %dma_start3A_398 = arith.constant 0 : i32
      %dma_start3A_399 = tpu.memref_slice %arg2[%dma_start3A_397, %dma_start3A_398] : memref<10000x128xf32, #tpu.memory_space<hbm>> -> memref<10000x128xf32, #tpu.memory_space<hbm>>
      tpu.enqueue_indirect_dma source(%dma_start3A_399 : memref<10000x128xf32, #tpu.memory_space<hbm>>) target(%dma_start3A_393 : memref<128x128xf32, #tpu.memory_space<vmem>>) offsets(%dma_start3A_396 : memref<128xi32, #tpu.memory_space<vmem>>) semaphore(%arg13 : memref<!tpu.dma_semaphore, #tpu.memory_space<semaphore_mem>>)
      %dma_wait3A_400 = arith.constant 0 : i32
      %dma_wait3A_401 = arith.constant 0 : i32
      %dma_wait3A_402 = arith.constant 0 : i32
      %dma_wait3A_403 = tpu.memref_slice %arg11[%dma_wait3A_401, %dma_wait3A_402] : memref<384x128xf32, #tpu.memory_space<vmem>> -> memref<128x128xf32, #tpu.memory_space<vmem>>
      %dma_wait3A_404 = arith.constant 0 : i32
      %dma_wait3A_405 = tpu.memref_slice %arg5[%dma_wait3A_400, %dma_wait3A_404] : memref<2x128xi32, #tpu.memory_space<vmem>> -> memref<1x128xi32, #tpu.memory_space<vmem>>
      %dma_wait3A_406 = tpu.memref_squeeze %dma_wait3A_405 : memref<1x128xi32, #tpu.memory_space<vmem>> -> memref<128xi32, #tpu.memory_space<vmem>>
      %dma_wait3A_407 = arith.constant 0 : i32
      %dma_wait3A_408 = arith.constant 0 : i32
      %dma_wait3A_409 = tpu.memref_slice %arg2[%dma_wait3A_407, %dma_wait3A_408] : memref<10000x128xf32, #tpu.memory_space<hbm>> -> memref<10000x128xf32, #tpu.memory_space<hbm>>
      tpu.wait_indirect_dma semaphore(%arg13 : memref<!tpu.dma_semaphore, #tpu.memory_space<semaphore_mem>>) src(%dma_wait3A_409 : memref<10000x128xf32, #tpu.memory_space<hbm>>) dst(%dma_wait3A_403 : memref<128x128xf32, #tpu.memory_space<vmem>>)
      %run_scoped3A = arith.constant 1 : i32
      "tpu.region"() ({
        %run_scoped3A_410 = tpu.sem_alloc : memref<!tpu.dma_semaphore, #tpu.memory_space<semaphore_mem>>
        %dma_start3A_411 = arith.constant 0 : i32
        %dma_start3A_412 = arith.constant 0 : i32
        %dma_start3A_413 = tpu.memref_slice %arg11[%dma_start3A_411, %dma_start3A_412] : memref<384x128xf32, #tpu.memory_space<vmem>> -> memref<128x128xf32, #tpu.memory_space<vmem>>
        %dma_start3A_414 = arith.constant 0 : i32
        %dma_start3A_415 = tpu.memref_slice %arg5[%run_scoped3A, %dma_start3A_414] : memref<2x128xi32, #tpu.memory_space<vmem>> -> memref<1x128xi32, #tpu.memory_space<vmem>>
        %dma_start3A_416 = tpu.memref_squeeze %dma_start3A_415 : memref<1x128xi32, #tpu.memory_space<vmem>> -> memref<128xi32, #tpu.memory_space<vmem>>
        %dma_start3A_417 = arith.constant 0 : i32
        %dma_start3A_418 = arith.constant 0 : i32
        %dma_start3A_419 = tpu.memref_slice %arg12[%dma_start3A_417, %dma_start3A_418] : memref<10000x128xf32, #tpu.memory_space<vmem_shared>> -> memref<10000x128xf32, #tpu.memory_space<vmem_shared>>
        tpu.enqueue_indirect_dma source(%dma_start3A_413 : memref<128x128xf32, #tpu.memory_space<vmem>>) target(%dma_start3A_419 : memref<10000x128xf32, #tpu.memory_space<vmem_shared>>) offsets(%dma_start3A_416 : memref<128xi32, #tpu.memory_space<vmem>>) semaphore(%run_scoped3A_410 : memref<!tpu.dma_semaphore, #tpu.memory_space<semaphore_mem>>) {add = true}
        %dma_wait3A_420 = arith.constant 0 : i32
        %dma_wait3A_421 = arith.constant 0 : i32
        %dma_wait3A_422 = tpu.memref_slice %arg11[%dma_wait3A_420, %dma_wait3A_421] : memref<384x128xf32, #tpu.memory_space<vmem>> -> memref<128x128xf32, #tpu.memory_space<vmem>>
        %dma_wait3A_423 = arith.constant 0 : i32
        %dma_wait3A_424 = tpu.memref_slice %arg5[%run_scoped3A, %dma_wait3A_423] : memref<2x128xi32, #tpu.memory_space<vmem>> -> memref<1x128xi32, #tpu.memory_space<vmem>>
        %dma_wait3A_425 = tpu.memref_squeeze %dma_wait3A_424 : memref<1x128xi32, #tpu.memory_space<vmem>> -> memref<128xi32, #tpu.memory_space<vmem>>
        %dma_wait3A_426 = arith.constant 0 : i32
        %dma_wait3A_427 = arith.constant 0 : i32
        %dma_wait3A_428 = tpu.memref_slice %arg12[%dma_wait3A_426, %dma_wait3A_427] : memref<10000x128xf32, #tpu.memory_space<vmem_shared>> -> memref<10000x128xf32, #tpu.memory_space<vmem_shared>>
        tpu.wait_indirect_dma semaphore(%run_scoped3A_410 : memref<!tpu.dma_semaphore, #tpu.memory_space<semaphore_mem>>) src(%dma_wait3A_422 : memref<128x128xf32, #tpu.memory_space<vmem>>) dst(%dma_wait3A_428 : memref<10000x128xf32, #tpu.memory_space<vmem_shared>>)
        tpu.yield
      }) : () -> ()
    } else {
    }
    %barrier3A_377 = arith.constant 0 : index
    tpu.barrier barrier_id(%barrier3A_377)
    %mul3A_378 = arith.constant 10000 : i32
    %mul3A_379 = arith.muli %arg0, %mul3A_378 : i32
    %add3A_380 = arith.addi %mul3A_379, %mul3A_4 : i32
    "tpu.region"() ({
      %run_scoped3A = tpu.sem_alloc : memref<!tpu.dma_semaphore, #tpu.memory_space<semaphore_mem>>
      %dma_start3A_386 = arith.constant 0 : i32
      %dma_start3A_387 = tpu.memref_slice %arg4[%add3A_380, %dma_start3A_386] : memref<20000x128xf32, #tpu.memory_space<hbm>> -> memref<624x128xf32, #tpu.memory_space<hbm>>
      %dma_start3A_388 = arith.constant 0 : i32
      %dma_start3A_389 = tpu.memref_slice %arg12[%mul3A_4, %dma_start3A_388] : memref<10000x128xf32, #tpu.memory_space<vmem_shared>> -> memref<624x128xf32, #tpu.memory_space<vmem_shared>>
      tpu.enqueue_dma source(%dma_start3A_389 : memref<624x128xf32, #tpu.memory_space<vmem_shared>>) target(%dma_start3A_387 : memref<624x128xf32, #tpu.memory_space<hbm>>) target_semaphore(%run_scoped3A : memref<!tpu.dma_semaphore, #tpu.memory_space<semaphore_mem>>)
      %dma_wait3A_390 = arith.constant 0 : i32
      %dma_wait3A_391 = tpu.memref_slice %arg4[%add3A_380, %dma_wait3A_390] : memref<20000x128xf32, #tpu.memory_space<hbm>> -> memref<624x128xf32, #tpu.memory_space<hbm>>
      %dma_wait3A_392 = arith.constant 0 : i32
      %dma_wait3A_393 = tpu.memref_slice %arg12[%mul3A_4, %dma_wait3A_392] : memref<10000x128xf32, #tpu.memory_space<vmem_shared>> -> memref<624x128xf32, #tpu.memory_space<vmem_shared>>
      tpu.wait_dma2 semaphore(%run_scoped3A : memref<!tpu.dma_semaphore, #tpu.memory_space<semaphore_mem>>) src(%dma_wait3A_393 : memref<624x128xf32, #tpu.memory_space<vmem_shared>>) dst(%dma_wait3A_391 : memref<624x128xf32, #tpu.memory_space<hbm>>)
      tpu.yield
    }) : () -> ()
    %eq3A_381 = arith.constant 15 : i32
    %eq3A_382 = arith.cmpi eq, %arg1, %eq3A_381 : i32
    %convert_element_type3A_383 = arith.extui %eq3A_382 : i1 to i32
    %cond3A_384 = arith.constant 0 : i32
    %cond3A_385 = arith.cmpi ne, %convert_element_type3A_383, %cond3A_384 : i32
    scf.if %cond3A_385 {
      %mul3A_386 = arith.constant 10000 : i32
      %mul3A_387 = arith.muli %arg0, %mul3A_386 : i32
      %add3A_388 = arith.constant 9984 : i32
      %add3A_389 = arith.addi %mul3A_387, %add3A_388 : i32
      "tpu.region"() ({
        %run_scoped3A = tpu.sem_alloc : memref<!tpu.dma_semaphore, #tpu.memory_space<semaphore_mem>>
        %dma_start3A_390 = arith.constant 0 : i32
        %dma_start3A_391 = tpu.memref_slice %arg4[%add3A_389, %dma_start3A_390] : memref<20000x128xf32, #tpu.memory_space<hbm>> -> memref<16x128xf32, #tpu.memory_space<hbm>>
        %dma_start3A_392 = arith.constant 9984 : i32
        %dma_start3A_393 = arith.constant 0 : i32
        %dma_start3A_394 = tpu.memref_slice %arg12[%dma_start3A_392, %dma_start3A_393] : memref<10000x128xf32, #tpu.memory_space<vmem_shared>> -> memref<16x128xf32, #tpu.memory_space<vmem_shared>>
        tpu.enqueue_dma source(%dma_start3A_394 : memref<16x128xf32, #tpu.memory_space<vmem_shared>>) target(%dma_start3A_391 : memref<16x128xf32, #tpu.memory_space<hbm>>) target_semaphore(%run_scoped3A : memref<!tpu.dma_semaphore, #tpu.memory_space<semaphore_mem>>)
        %dma_wait3A_395 = arith.constant 0 : i32
        %dma_wait3A_396 = tpu.memref_slice %arg4[%add3A_389, %dma_wait3A_395] : memref<20000x128xf32, #tpu.memory_space<hbm>> -> memref<16x128xf32, #tpu.memory_space<hbm>>
        %dma_wait3A_397 = arith.constant 9984 : i32
        %dma_wait3A_398 = arith.constant 0 : i32
        %dma_wait3A_399 = tpu.memref_slice %arg12[%dma_wait3A_397, %dma_wait3A_398] : memref<10000x128xf32, #tpu.memory_space<vmem_shared>> -> memref<16x128xf32, #tpu.memory_space<vmem_shared>>
        tpu.wait_dma2 semaphore(%run_scoped3A : memref<!tpu.dma_semaphore, #tpu.memory_space<semaphore_mem>>) src(%dma_wait3A_399 : memref<16x128xf32, #tpu.memory_space<vmem_shared>>) dst(%dma_wait3A_396 : memref<16x128xf32, #tpu.memory_space<hbm>>)
        tpu.yield
      }) : () -> ()
    } else {
    }
    return
  }
}

module attributes {stable_mosaic.version = 14 : i64} {
  func.func @body(%arg0: i32, %arg1: memref<5000x128xf32, #tpu.memory_space<vmem>>, %arg2: memref<5000x128xf32, #tpu.memory_space<vmem>>, %arg3: memref<5000x128xf32, #tpu.memory_space<vmem>>, %arg4: memref<5000x128xf32, #tpu.memory_space<vmem>>) attributes {dimension_semantics = [#tpu.dimension_semantics<arbitrary>], iteration_bounds = array<i64: 2>, scalar_prefetch = 0 : i64, scratch_operands = 0 : i64, tpu.core_type = #tpu.core_type<tc>, window_params = [{transform_indices = @transform_0, window_bounds = array<i64: 5000, 128>}, {transform_indices = @transform_1, window_bounds = array<i64: 5000, 128>}, {transform_indices = @transform_2, window_bounds = array<i64: 5000, 128>}, {transform_indices = @transform_3, window_bounds = array<i64: 5000, 128>}]} {
    %get3A = arith.constant 0 : index
    %get3A_0 = arith.constant 0 : index
    %get3A_1 = vector.load %arg1[%get3A, %get3A_0] : memref<5000x128xf32, #tpu.memory_space<vmem>>, vector<5000x128xf32>
    %get3A_2 = arith.constant 0 : index
    %get3A_3 = arith.constant 0 : index
    %get3A_4 = vector.load %arg2[%get3A_2, %get3A_3] : memref<5000x128xf32, #tpu.memory_space<vmem>>, vector<5000x128xf32>
    %add3A = arith.addf %get3A_1, %get3A_4 : vector<5000x128xf32>
    %get3A_5 = arith.constant 0 : index
    %get3A_6 = arith.constant 0 : index
    %get3A_7 = vector.load %arg3[%get3A_5, %get3A_6] : memref<5000x128xf32, #tpu.memory_space<vmem>>, vector<5000x128xf32>
    %sub3A = arith.subf %add3A, %get3A_7 : vector<5000x128xf32>
    %swap3A = arith.constant 0 : index
    %swap3A_8 = arith.constant 0 : index
    %swap3A_9 = vector.load %arg4[%swap3A, %swap3A_8] : memref<5000x128xf32, #tpu.memory_space<vmem>>, vector<5000x128xf32>
    tpu.vector_store %arg4[%swap3A, %swap3A_8], %sub3A {strides = array<i32>} : memref<5000x128xf32, #tpu.memory_space<vmem>>, vector<5000x128xf32>,
    return
  }
  func.func @transform_0(%arg0: i32) -> (i32, i32) {
    %c0_i32 = arith.constant 0 : i32
    %c0_i32_0 = arith.constant 0 : i32
    return %arg0, %c0_i32 : i32, i32
  }
  func.func @transform_1(%arg0: i32) -> (i32, i32) {
    %add3A = arith.constant 2 : i32
    %add3A_0 = arith.addi %arg0, %add3A : i32
    %c0_i32 = arith.constant 0 : i32
    %c0_i32_1 = arith.constant 0 : i32
    return %add3A_0, %c0_i32 : i32, i32
  }
  func.func @transform_2(%arg0: i32) -> (i32, i32) {
    %c0_i32 = arith.constant 0 : i32
    %c0_i32_0 = arith.constant 0 : i32
    return %arg0, %c0_i32 : i32, i32
  }
  func.func @transform_3(%arg0: i32) -> (i32, i32) {
    %c0_i32 = arith.constant 0 : i32
    %c0_i32_0 = arith.constant 0 : i32
    return %arg0, %c0_i32 : i32, i32
  }
}

</mosaic_0001>

<sc_bundles>
// kernel: kernel.4.cloned.1.call-start
scs
__scs_entry_jumppad:
0x0: {  	(pc) =	sbr.rel $0x88, $3  }
0x1: {  	(tag) =	ssettag $0x0;
	lr =	simm.s32 $0x1  }
0x2: {  	[smem:$0x3F9F] =	sst lr;
	_ =	strace $0xD0000000  }
0x3: {  	_ = 	snop  }
0x4: {  	_ = 	snop  }
0x5: {  	_ = 	snop  }
0x6: {  	_ = 	snop  }
0x7: {  	_ = 	snop  }
__scs_overlays_trampoline_lowered:
0x8: {  	[smem:$0x3FAE] =	sst s0  }
0x9: {  	[smem:$0x3FAF] =	sst s1  }
0xa: {  	[smem:$0x3FB0] =	sst s2  }
0xb: {  	[smem:$0x3FB1] =	sst s3  }
0xc: {  	[smem:$0x3FB2] =	sst s4  }
0xd: {  	[smem:$0x3FB3] =	sst s5  }
0xe: {  	[smem:$0x3FB4] =	sst s6  }
0xf: {  	[smem:$0x3FB5] =	sst s7  }
0x10: {  	[smem:$0x3FB6] =	sst s8  }
0x11: {  	[smem:$0x3FB7] =	sst s9;
	s0 =	simm.s32 @!p0 $0x0  }
0x12: {  	s1 =	sld [smem:$0x3F9D];
	s0 =	simm.s32 @p0 $0x1  }
0x13: {  	[smem:$0x3FB8] =	sst s0;
	s0 =	simm.s32 @!p1 $0x0  }
0x14: {  	s2 =	sld [smem:$0x3F9C];
	s0 =	simm.s32 @p1 $0x1  }
0x15: {  	[smem:$0x3FB9] =	sst s0;
	s0 =	simm.s32 @!p2 $0x0  }
0x16: {  	s3 =	sld [smem:$0x3FDB];
	s0 =	simm.s32 @p2 $0x1  }
0x17: {  	s4 =	simm.s32 $0x1BF5;
	[smem:$0x3FBB] =	sst s0  }
0x18: {  	s0 =	sld [smem:$0x3F9E];
	_ =	swait.ge [sflag:s4], $0x0  }
0x19: {  	s7 =	sld [smem:$0x3F9F]  }
0x1a: {  	s8 =	sadd.s32 $0xFFFFE003, lr  }
0x1b: {  	s9 =	sadd.s32 $0xFFFFFEF7, lr;
	s5 =	simm.s32 $0xFFFFFFFF;
	p2 =	slt.u32 s8, $0xFFFFF086  }
0x1c: {  	p1 =	slt.u32 s9, $0xF7A;
	s5 =	simm.s32 @!p2 $0x0  }
0x1d: {  	s5 =	simm.s32 @p1 $0x1;
	p0 =	seq.s32 s7, s2  }
0x1e: {  	s7 =	smul.u32 @!p0 $0xF7A, s2;
	p2 =	seq.s32 @!p0 s5, $0x0  }
0x1f: {  	s9 =	smul.u32 $0xF7A, s1;
	s8 =	simm.s32 @!p0 $0x1BF5;
	p2 =	por !p2, p0  }
0x20: {  	[sflag:s8] =	ssyncset.s32 @!p0 $0xFFFFF086;
	s6 =	sadd.s32 @!p0 s3, s7;
	s7 =	simm.s32 @!p0 $0x108  }
0x21: {  	s3 =	sadd.s32 s3, s9;
	s6 =	sadd.s32 @!p0 $0x88, s6;
	s7 =	simm.s32 @p2 $0x1082  }
0x22: {  	[simem:s7], [sflag:s8] =	dma.local @!p0 [hbm:s6], $0xF7A  }
0x23: {  	s9 =	sor.u32 $0xD0000000, s2;
	s6 =	simm.s32 $0x108;
	_ =	swait.ge @!p0 [sflag:s8], $0x0  }
0x24: {  	s3 =	sadd.s32 $0x88, s3;
	s6 =	simm.s32 @!p1 $0x1082;
	[sflag:s4] =	ssyncset.s32 $0xFFFFF086  }
0x25: {  	[simem:s6], [sflag:s4] =	dma.local [hbm:s3], $0xF7A  }
0x26: {  	[smem:$0x3F9F] =	sst s1;
	(tag) =	ssettag s2;
	_ =	strace s9  }
0x27: {  	s1 =	sld [smem:$0x3FAF]  }
0x28: {  	s2 =	sld [smem:$0x3FB0]  }
0x29: {  	s4 =	sld [smem:$0x3FB2]  }
0x2a: {  	p0 =	seq.s32 s5, $0x0;
	s5 =	sld [smem:$0x3FB3]  }
0x2b: {  	s6 =	sld [smem:$0x3FB4]  }
0x2c: {  	s7 =	sld [smem:$0x3FB5]  }
0x2d: {  	s3 =	simm.s32 $0x108;
	s8 =	sld [smem:$0x3FB6]  }
0x2e: {  	s3 =	simm.s32 @!p0 $0x1082;
	s9 =	sld [smem:$0x3FB7]  }
0x2f: {  	lr =	sadd.s32 s0, s3;
	s0 =	sld [smem:$0x3FAE]  }
0x30: {  	s3 =	sld [smem:$0x3FB1]  }
0x31: {  	[smem:$0x3FBA] =	sst s10  }
0x32: {  	s10 =	sld [smem:$0x3FB8];
	_ =	sdelay $0x3  }
0x33: {  	p0 =	seq.s32 s10, $0x1;
	s10 =	sld [smem:$0x3FBA];
	_ =	sdelay $0x3  }
0x34: {  	[smem:$0x3FBA] =	sst s10  }
0x35: {  	s10 =	sld [smem:$0x3FB9];
	_ =	sdelay $0x3  }
0x36: {  	p1 =	seq.s32 s10, $0x1;
	s10 =	sld [smem:$0x3FBA];
	_ =	sdelay $0x3  }
0x37: {  	[smem:$0x3FBA] =	sst s10  }
0x38: {  	s10 =	sld [smem:$0x3FBB]  }
0x39: {  	_ = 	snop;
	(pc) =	sbr.ind lr, $3  }
0x3a: {  	_ = 	snop  }
0x3b: {  	_ = 	snop  }
0x3c: {  	p2 =	seq.s32 s10, $0x1;
	s10 =	sld [smem:$0x3FBA]  }
0x3d: {  	_ =	shalt  }
0x3e: {  	_ =	shalt  }
0x3f: {  	_ =	shalt  }
0x40: {  	_ =	shalt  }
0x41: {  	_ =	shalt  }
0x42: {  	_ =	shalt  }
0x43: {  	_ =	shalt  }
0x44: {  	_ =	shalt  }
0x45: {  	_ =	shalt  }
0x46: {  	_ =	shalt  }
0x47: {  	_ =	shalt  }
0x48: {  	_ =	shalt  }
0x49: {  	_ =	shalt  }
0x4a: {  	_ =	shalt  }
0x4b: {  	_ =	shalt  }
0x4c: {  	_ =	shalt  }
0x4d: {  	_ =	shalt  }
0x4e: {  	_ =	shalt  }
0x4f: {  	_ =	shalt  }
0x50: {  	_ =	shalt  }
0x51: {  	_ =	shalt  }
0x52: {  	_ =	shalt  }
0x53: {  	_ =	shalt  }
0x54: {  	_ =	shalt  }
0x55: {  	_ =	shalt  }
0x56: {  	_ =	shalt  }
0x57: {  	_ =	shalt  }
0x58: {  	_ =	shalt  }
0x59: {  	_ =	shalt  }
0x5a: {  	_ =	shalt  }
0x5b: {  	_ =	shalt  }
0x5c: {  	_ =	shalt  }
0x5d: {  	_ =	shalt  }
0x5e: {  	_ =	shalt  }
0x5f: {  	_ =	shalt  }
0x60: {  	_ =	shalt  }
0x61: {  	_ =	shalt  }
0x62: {  	_ =	shalt  }
0x63: {  	_ =	shalt  }
0x64: {  	_ =	shalt  }
0x65: {  	_ =	shalt  }
0x66: {  	_ =	shalt  }
0x67: {  	_ =	shalt  }
0x68: {  	_ =	shalt  }
0x69: {  	_ =	shalt  }
0x6a: {  	_ =	shalt  }
0x6b: {  	_ =	shalt  }
0x6c: {  	_ =	shalt  }
0x6d: {  	_ =	shalt  }
0x6e: {  	_ =	shalt  }
0x6f: {  	_ =	shalt  }
0x70: {  	_ =	shalt  }
0x71: {  	_ =	shalt  }
0x72: {  	_ =	shalt  }
0x73: {  	_ =	shalt  }
0x74: {  	_ =	shalt  }
0x75: {  	_ =	shalt  }
0x76: {  	_ =	shalt  }
0x77: {  	_ =	shalt  }
0x78: {  	_ =	shalt  }
0x79: {  	_ =	shalt  }
0x7a: {  	_ =	shalt  }
0x7b: {  	_ =	shalt  }
0x7c: {  	_ =	shalt  }
0x7d: {  	_ =	shalt  }
0x7e: {  	_ =	shalt  }
0x7f: {  	_ =	shalt  }
0x80: {  	_ =	shalt  }
0x81: {  	_ =	shalt  }
0x82: {  	_ =	shalt  }
0x83: {  	_ =	shalt  }
0x84: {  	_ =	shalt  }
0x85: {  	_ =	shalt  }
0x86: {  	_ =	shalt  }
0x87: {  	_ =	shalt  }
.Lfunc_end0:
.L_simem_size_0:
called_computation_lowered:
.L_overlay_start_0:
0x88: {  	s2 =	sld [smem:$0x3FD9]  }
0x89: {  	s3 =	sld [smem:$0x3FFE];
	_ =	sdelay $0x1  }
0x8a: {  	s1 =	srdreg.scid  }
0x8b: {  	s0 =	sand.u32 $0x1, s1  }
0x8c: {  	s17 =	sshll.u32 s0, $0xA;
	s2 =	sadd.s32 s3, s2  }
0x8d: {  	s2 =	sadd.s32 s2, s17  }
0x8e: {  	[smem:$0x3FC6] =	sst s2  }
0x8f: {  	_ = 	snop  }
0x90: {  	s2 =	sld [smem:$0x3FC9]  }
0x91: {  	s18 =	sld [smem:$0x3FC8];
	(tm) =	ssettm $0x1  }
0x92: {  	s4 =	sld [smem:$0x3FFB];
	_ =	sdelay $0x3  }
0x93: {  	_ =	strace s4  }
0x94: {  	s4 =	sld [smem:$0x3FFC];
	_ =	sdelay $0x3  }
0x95: {  	_ =	strace s4  }
0x96: {  	s4 =	sld [smem:$0x3FFD];
	_ =	sdelay $0x3  }
0x97: {  	_ =	strace s4  }
0x98: {  	_ =	strace $0x8FFFFFFF  }
0x99: {  	s19 =	sld [smem:$0x3FDB];
	_ =	sdelay $0x1  }
0x9a: {  	s5 =	simm.s32 $_scs_section_size  }
0x9b: {  	s6 =	simm.s32 $_size__tile_overlayer_lowered;
	s7 =	simm.s32 $_tile_overlayer_lowered  }
0x9c: {  	s22 =	simm.s32 $0x1BFF;
	s21 =	sshll.u32 s7, $0x1;
	s4 =	sadd.s32 s5, s19  }
0x9d: {  	s8 =	simm.s32 $0x0;
	s20 =	sshll.u32 s6, $0x1;
	s6 =	sadd.s32 s21, s4  }
0x9e: {  	[timem:s8], [sflag:s22] =	dma.local [hbm:s6], s20  }
0x9f: {  	_ =	swait.ge [sflag:s22], s20  }
0xa0: {  	s5 =	ssub.s32 $0x0, s20;
	[sflag:s22] =	ssyncset.done $0x0  }
0xa1: {  	[sflag:s22] =	ssyncadd.s32 s5;
	_ =	sdelay $0x1  }
0xa2: {  	s23 =	simm.s32 $0x1B8B  }
0xa3: {  	_ =	swait.ge [sflag:s23], $0x1  }
0xa4: {  	[sflag:s23] =	ssyncset.done $0x0  }
0xa5: {  	s25 =	simm.s32 $0x1B8E;
	s24 =	sld [smem:$0x3FFE];
	[sflag:s23] =	ssyncadd.s32 $0xFFFFFFFF  }
0xa6: {  	s26 =	simm.s32 $execute0_lowered;
	[smem:$0x3FD2] =	sst s25  }
0xa7: {  	s6 =	sshll.u32 s26, $0x1;
	_ =	strace $0x80000046;
	[dreg:$0x1] =	wrdreg $0xFFFFFFFF  }
0xa8: {  	s28 =	simm.s32 $_size_execute0_lowered;
	s4 =	sadd.s32 s4, s6;
	[dreg:$0x0] =	wrdreg $0x0  }
0xa9: {  	s6 =	sshll.u32 s28, $0x1;
	[dreg:$0x2] =	wrdreg s4  }
0xaa: {  	[dreg:$0x3] =	wrdreg s6  }
0xab: {  	[dreg:$0x4] =	wrdreg $0xC0  }
0xac: {  	_ =	task [dreg:s8], $0x5FFFF  }
0xad: {  	[dreg:$0x1] =	wrdreg $0xFFFFFFFF  }
0xae: {  	[dreg:$0x0] =	wrdreg $0x60  }
0xaf: {  	[dreg:$0x2] =	wrdreg s2  }
0xb0: {  	[dreg:$0x3] =	wrdreg s18  }
0xb1: {  	[dreg:$0x4] =	wrdreg s24  }
0xb2: {  	[dreg:$0x5] =	wrdreg $0xC6000  }
0xb3: {  	[dreg:$0x6] =	wrdreg $0x9  }
0xb4: {  	_ =	task.clear_ibuf [dreg:s8], $0x7FFFF;
	_ =	strace $0x90000046  }
0xb5: {  	s29 =	simm.s32 $0x9;
	_ =	strace $0x80000048  }
0xb6: {  	_ =	swait.ge [sflag:s29], $0x1  }
0xb7: {  	[sflag:s29] =	ssyncadd.s32 $0xFFFFFFFF  }
0xb8: {  	_ =	strace $0x90000048  }
0xb9: {  	_ =	sfence  }
0xba: {  	s30 =	sld [smem:$0x0];
	_ =	sdelay $0x2  }
0xbb: {  	s31 =	sshll.u32 s1, $0xD;
	s1 =	sshrl.u32 s1, $0x2  }
0xbc: {  	s3 =	sand.u32 $0x4000, s31;
	s1 =	sadd.s32 s1, s30  }
0xbd: {  	s0 =	sor.u32 s3, s0;
	s1 =	sshll.u32 s1, $0x11  }
0xbe: {  	s0 =	sor.u32 s1, s0  }
0xbf: {  	s0 =	sadd.s32 $0x8F2B, s0  }
0xc0: {  	[sflag:s0] =	ssyncadd.remote.s32 $0x1  }
0xc1: {  	_ =	sfence.sel $0xFFFF  }
0xc2: {  	[dreg:$0x0] =	wrdreg $0xFFFFFFFF;
	(pc) =	sbr.abs _section_cstart, $3  }
0xc3: {  	[dreg:$0x1] =	wrdreg $0xFFFFFFFF  }
0xc4: {  	_ =	task.clear_ibuf [dreg:s8], $0x2FFFF;
	_ =	strace $0x9FFFFFFF  }
0xc5: {  	(tm) =	ssettm $0x7FFFFFFF  }
tec
execute0_lowered:
.L_overlay_start_1:
0x0: {  	(tag) =	ssettag $0x1  }
0x1: {  	s1 =	rddreg [dreg:$0x0]  }
0x2: {  	s0 =	rddreg [dreg:$0x1]  }
0x3: {  	s3 =	rddreg [dreg:$0x2]  }
0x4: {  	s2 =	rddreg [dreg:$0x3];
	s4 =	simm.s32 $0x0;
	s5 =	srdreg.scid  }
0x5: {  	s14 =	stileid.u32;
	s28 =	simm.s32 $0x80;
	s29 =	simm.s32 $0x600  }
0x6: {  	s30 =	simm.s32 $0x5;
	s31 =	simm.s32 $0x4600;
	[smem:$0x7FF] =	sst s4  }
0x7: {  	s5 =	sand.u32 $0x1, s5;
	s7 =	smul.u32 $0x4E000, s14;
	s3 =	sadd.s32 $0x800, s3  }
0x8: {  	s9 =	sshll.u32 s14, $0x1;
	s10 =	smul.u32 $0x2700, s14;
	s11 =	sshll.u32 s14, $0x6  }
0x9: {  	s22 =	sadd.s32 $0x138000, s2;
	s23 =	sadd.s32 $0x27000, s1;
	s25 =	smul.u32 $0x9C, s14  }
0xa: {  	s12 =	sadd.s32 $0x20, s0;
	p0 =	sne.s32 s14, $0xF;
	p1 =	sgt.u32 s14, $0x1  }
0xb: {  	s14 =	simm.s32 $0xB;
	_ =	strace $0x80000047;
	[dreg:$0xd] =	wrdreg s11  }
0xc: {  	s6 =	ssub.s32 $0x2, s5;
	s9 =	sor.u32 s5, s9;
	[dreg:$0xf] =	wrdreg s22  }
0xd: {  	s11 =	sor.u32 $0x1C0D, s11;
	[dreg:$0x10] =	wrdreg s23;
	s13 =	smul.u32 $0x4E, s5  }
0xe: {  	s8 =	sshrl.u32 s6, $0x1;
	s7 =	sshrl.u32 s7, $0x2;
	s19 =	smul.u32 $0x9C0, s9  }
0xf: {  	s20 =	sadd.s32 s1, s10;
	s21 =	smul.u32 $0x4E00, s9;
	[dreg:$0xe] =	wrdreg s11  }
0x10: {  	s17 =	sshll.u32 s9, $0x5;
	s11 =	simm.s32 $0x2;
	s6 =	ssub.s32 s6, s8  }
0x11: {  	s7 =	sadd.s32 s7, s2;
	[dreg:$0xc] =	wrdreg s20;
	s18 =	sadd.s32 s13, s25  }
0x12: {  	s13 =	simm.s32 $0x8;
	[dreg:$0xb] =	wrdreg s7;
	s24 =	sadd.s32 s0, s19  }
0x13: {  	s8 =	sshrl.u32 s21, $0x3;
	s7 =	sadd.s32 s19, s12;
	s19 =	smul.u32 $0x27100, s5  }
0x14: {  	s9 =	sshll.u32 s18, $0x5;
	s5 =	smul.u32 $0x138800, s5;
	[dreg:$0x11] =	wrdreg s24  }
0x15: {  	s18 =	simm.s32 $0x380;
	s8 =	sadd.s32 s0, s8;
	[dreg:$0x12] =	wrdreg s7  }
0x16: {  	s7 =	sadd.s32 s17, s0;
	s20 =	sadd.s32 s12, s9;
	s26 =	sadd.s32 $0x40, s8  }
0x17: {  	s0 =	sadd.s32 s0, s9;
	s15 =	sadd.s32 $0x60, s8;
	[dreg:$0x13] =	wrdreg s26  }
0x18: {  	s17 =	simm.s32 $0xC;
	s16 =	sadd.s32 $0x80, s8;
	[dreg:$0x14] =	wrdreg s15  }
0x19: {  	s12 =	simm.s32 $0x0;
	s8 =	sadd.s32 $0xA0, s8;
	[dreg:$0x15] =	wrdreg s16  }
0x1a: {  	s7 =	sadd.s32 $0x13800, s7;
	s21 =	sadd.s32 s10, s19;
	[dreg:$0x16] =	wrdreg s8  }
0x1b: {  	s22 =	sadd.s32 $0x140, s20;
	s9 =	sadd.s32 $0x140, s0;
	[dreg:$0x17] =	wrdreg s7  }
0x1c: {  	s23 =	sadd.s32 $0x100, s20;
	s5 =	sshrl.u32 s5, $0x3;
	[dreg:$0x5] =	wrdreg s22  }
0x1d: {  	s24 =	sadd.s32 $0x100, s0;
	s25 =	sadd.s32 $0xC0, s20;
	[dreg:$0x6] =	wrdreg s9  }
0x1e: {  	s0 =	sadd.s32 $0xC0, s0;
	s10 =	simm.s32 $0xA;
	[dreg:$0x7] =	wrdreg s23  }
0x1f: {  	s19 =	simm.s32 $0x480;
	s20 =	simm.s32 $0x580;
	[dreg:$0x8] =	wrdreg s24  }
0x20: {  	s8 =	sadd.s32 s3, s21;
	s3 =	sadd.s32 s3, s5;
	[dreg:$0x9] =	wrdreg s25  }
0x21: {  	s26 =	smax.u32 s6, $0x1;
	[dreg:$0xa] =	wrdreg s0;
	s21 =	simm.s32 $0x100  }
0x22: {  	s22 =	simm.s32 $0x200;
	s23 =	simm.s32 $0x300;
	s24 =	simm.s32 $0x400  }
0x23: {  	s25 =	simm.s32 $0x500;
	s0 =	simm.s32 $0x6;
	s6 =	simm.s32 $0x1  }
0x24: {  	s9 =	simm.s32 $0x7;
	s7 =	simm.s32 $0x3;
	[dreg:$0x18] =	wrdreg s8  }
0x25: {  	s16 =	simm.s32 $0x9;
	s3 =	sadd.s32 $0x27000, s3;
	[dreg:$0x1a] =	wrdreg s26  }
0x26: {  	s26 =	simm.s32 $0x4;
	[dreg:$0x19] =	wrdreg s3;
	s3 =	simm.s32 $0x8600  }
.LBB2_1:
0x27: {  	[dreg:$0x1b] =	wrdreg s12  }
0x28: {  	s5 =	rddreg [dreg:$0xb]  }
0x29: {  	s15 =	rddreg [dreg:$0xc]  }
0x2a: {  	s8 =	rddreg [dreg:$0xe];
	s5 =	sshrl.u32 s5, $0x3  }
0x2b: {  	[dreg:$0x1d] =	wrdreg s5  }
0x2c: {  	[spmem:s5], [sflag:s8] =	dma.local [hbm:s15], $0x2700  }
0x2d: {  	s5 =	rddreg [dreg:$0xf]  }
0x2e: {  	s12 =	sshrl.u32 @!p0 s5, $0x3;
	s5 =	rddreg [dreg:$0x10]  }
0x2f: {  	[dreg:$0x1c] =	wrdreg s12  }
0x30: {  	[spmem:s12], [sflag:s8] =	dma.local @!p0 [hbm:s5], $0x100  }
0x31: {  	s5 =	rddreg [dreg:$0x11]  }
0x32: {  	[tilespmem:s4], [sflag:$0x4] =	stream.linear.gather [hbm4b:s5+s4], $0x100, $0x38;
	[tilespmem:$0x1FE80] =	vst v63  }
0x33: {  	s8 =	rddreg [dreg:$0x12]  }
0x34: {  	[tilespmem:s21], [sflag:$0x5] =	stream.linear.gather [hbm4b:s8+s4], $0x100, $0x38;
	[tilespmem:$0x1FE80] =	vst v63  }
0x35: {  	s12 =	rddreg [dreg:$0x13]  }
0x36: {  	[tilespmem:s22], [sflag:$0x6] =	stream.linear.gather [hbm4b:s12+s4], $0x100, $0x38;
	[tilespmem:$0x1FE80] =	vst v63  }
0x37: {  	s15 =	rddreg [dreg:$0x14]  }
0x38: {  	[tilespmem:s23], [sflag:$0x7] =	stream.linear.gather [hbm4b:s15+s4], $0x100, $0x38;
	[tilespmem:$0x1FE80] =	vst v63  }
0x39: {  	s8 =	rddreg [dreg:$0x15]  }
0x3a: {  	[tilespmem:s24], [sflag:$0x8] =	stream.linear.gather [hbm4b:s8+s4], $0x100, $0x38;
	[tilespmem:$0x1FE80] =	vst v63  }
0x3b: {  	s12 =	rddreg [dreg:$0x16]  }
0x3c: {  	[tilespmem:s25], [sflag:$0x9] =	stream.linear.gather [hbm4b:s12+s4], $0x100, $0x38;
	[tilespmem:$0x1FE80] =	vst v63  }
0x3d: {  	_ =	swait.ge [sflag:s26], $0x100  }
0x3e: {  	[sflag:s26] =	ssyncset.done $0x0  }
0x3f: {  	[sflag:s26] =	ssyncadd.s32 $0xFFFFFF00  }
0x40: {  	[tilespmem:s29], [sflag:$0x1] =	stream.indirect.gather [hbm4b:s1+s28], $0x80, s4, s28, $0xb8;
	[tilespmem:$0x1FE80] =	vst v63  }
0x41: {  	_ =	swait.ge [sflag:s30], $0x100  }
0x42: {  	[sflag:s30] =	ssyncset.done $0x0  }
0x43: {  	[sflag:s30] =	ssyncadd.s32 $0xFFFFFF00  }
0x44: {  	[tilespmem:s31], [sflag:$0x2] =	stream.indirect.gather [hbm4b:s1+s28], $0x80, s21, s28, $0xb8;
	[tilespmem:$0x1FE80] =	vst v63  }
0x45: {  	_ =	swait.ge [sflag:s0], $0x100  }
0x46: {  	[sflag:s0] =	ssyncset.done $0x0  }
0x47: {  	s15 =	simm.s32 $0xD;
	[sflag:s0] =	ssyncadd.s32 $0xFFFFFF00  }
0x48: {  	[tilespmem:s3], [sflag:$0x3] =	stream.indirect.gather [hbm4b:s1+s28], $0x80, s22, s28, $0xb8;
	[tilespmem:$0x1FE80] =	vst v63  }
0x49: {  	_ =	swait.ge [sflag:s15], $0x2700  }
0x4a: {  	[sflag:s15] =	ssyncset.done $0x0  }
0x4b: {  	s5 =	simm.s32 @!p0 $0xD;
	[sflag:s15] =	ssyncadd.s32 $0xFFFFD900  }
0x4c: {  	_ =	swait.ge @!p0 [sflag:s5], $0x100  }
0x4d: {  	[sflag:s5] =	ssyncset.done @!p0 $0x0  }
0x4e: {  	[sflag:s5] =	ssyncadd.s32 @!p0 $0xFFFFFF00  }
0x4f: {  	[bflag:$0x0] =	sbarrier.arrive $0xFFFF  }
0x50: {  	_ =	swait.ge [sflag:s6], $0x4000  }
0x51: {  	[sflag:s6] =	ssyncset.done $0x0  }
0x52: {  	s8 =	rddreg [dreg:$0xa];
	[sflag:s6] =	ssyncadd.s32 $0xFFFFC000  }
0x53: {  	[spmem:s2] =	stream.indirect.scatter.add.f32 [tilespmem:s29], [sflag:$0xA], $0x80, s28, s28, $0xb8;
	[tilespmem:$0x1FE80] =	vst v63  }
0x54: {  	s5 =	sadd.s32 $0x0, s8  }
0x55: {  	[tilespmem:s4], [sflag:$0x4] =	stream.linear.gather [hbm4b:s5+s4], $0x100, $0x38;
	[tilespmem:$0x1FE80] =	vst v63  }
0x56: {  	_ =	swait.ge [sflag:s9], $0x100  }
0x57: {  	[sflag:s9] =	ssyncset.done $0x0  }
0x58: {  	[sflag:s9] =	ssyncadd.s32 $0xFFFFFF00  }
0x59: {  	_ =	swait.ge [sflag:s10], $0x4000  }
0x5a: {  	[sflag:s10] =	ssyncset.done $0x0  }
0x5b: {  	[sflag:s10] =	ssyncadd.s32 $0xFFFFC000  }
0x5c: {  	[tilespmem:s29], [sflag:$0x1] =	stream.indirect.gather [hbm4b:s1+s28], $0x80, s23, s28, $0xb8;
	[tilespmem:$0x1FE80] =	vst v63  }
0x5d: {  	_ =	swait.ge [sflag:s11], $0x4000  }
0x5e: {  	[sflag:s11] =	ssyncset.done $0x0  }
0x5f: {  	s15 =	simm.s32 $0x180;
	s12 =	rddreg [dreg:$0x9];
	[sflag:s11] =	ssyncadd.s32 $0xFFFFC000  }
0x60: {  	[spmem:s2] =	stream.indirect.scatter.add.f32 [tilespmem:s31], [sflag:$0xB], $0x80, s15, s28, $0xb8;
	[tilespmem:$0x1FE80] =	vst v63  }
0x61: {  	s5 =	sadd.s32 $0x0, s12  }
0x62: {  	[tilespmem:s21], [sflag:$0x5] =	stream.linear.gather [hbm4b:s5+s4], $0x100, $0x38;
	[tilespmem:$0x1FE80] =	vst v63  }
0x63: {  	_ =	swait.ge [sflag:s13], $0x100  }
0x64: {  	[sflag:s13] =	ssyncset.done $0x0  }
0x65: {  	[sflag:s13] =	ssyncadd.s32 $0xFFFFFF00  }
0x66: {  	_ =	swait.ge [sflag:s14], $0x4000  }
0x67: {  	[sflag:s14] =	ssyncset.done $0x0  }
0x68: {  	[sflag:s14] =	ssyncadd.s32 $0xFFFFC000  }
0x69: {  	[tilespmem:s31], [sflag:$0x2] =	stream.indirect.gather [hbm4b:s1+s28], $0x80, s24, s28, $0xb8;
	[tilespmem:$0x1FE80] =	vst v63  }
0x6a: {  	_ =	swait.ge [sflag:s7], $0x4000  }
0x6b: {  	[sflag:s7] =	ssyncset.done $0x0  }
0x6c: {  	s15 =	simm.s32 $0x280;
	s12 =	rddreg [dreg:$0x8];
	[sflag:s7] =	ssyncadd.s32 $0xFFFFC000  }
0x6d: {  	[spmem:s2] =	stream.indirect.scatter.add.f32 [tilespmem:s3], [sflag:$0xC], $0x80, s15, s28, $0xb8;
	[tilespmem:$0x1FE80] =	vst v63  }
0x6e: {  	s5 =	sadd.s32 $0x0, s12  }
0x6f: {  	[tilespmem:s22], [sflag:$0x6] =	stream.linear.gather [hbm4b:s5+s4], $0x100, $0x38;
	[tilespmem:$0x1FE80] =	vst v63  }
0x70: {  	_ =	swait.ge [sflag:s16], $0x100  }
0x71: {  	[sflag:s16] =	ssyncset.done $0x0  }
0x72: {  	[sflag:s16] =	ssyncadd.s32 $0xFFFFFF00  }
0x73: {  	_ =	swait.ge [sflag:s17], $0x4000  }
0x74: {  	[sflag:s17] =	ssyncset.done $0x0  }
0x75: {  	[sflag:s17] =	ssyncadd.s32 $0xFFFFC000  }
0x76: {  	[tilespmem:s3], [sflag:$0x3] =	stream.indirect.gather [hbm4b:s1+s28], $0x80, s25, s28, $0xb8;
	[tilespmem:$0x1FE80] =	vst v63  }
0x77: {  	_ =	swait.ge [sflag:s6], $0x4000  }
0x78: {  	[sflag:s6] =	ssyncset.done $0x0  }
0x79: {  	s8 =	rddreg [dreg:$0x7];
	[sflag:s6] =	ssyncadd.s32 $0xFFFFC000  }
0x7a: {  	[spmem:s2] =	stream.indirect.scatter.add.f32 [tilespmem:s29], [sflag:$0xA], $0x80, s18, s28, $0xb8;
	[tilespmem:$0x1FE80] =	vst v63  }
0x7b: {  	s5 =	sadd.s32 $0x0, s8  }
0x7c: {  	[tilespmem:s23], [sflag:$0x7] =	stream.linear.gather [hbm4b:s5+s4], $0x100, $0x38;
	[tilespmem:$0x1FE80] =	vst v63  }
0x7d: {  	_ =	swait.ge [sflag:s26], $0x100  }
0x7e: {  	[sflag:s26] =	ssyncset.done $0x0  }
0x7f: {  	[sflag:s26] =	ssyncadd.s32 $0xFFFFFF00  }
0x80: {  	_ =	swait.ge [sflag:s10], $0x4000  }
0x81: {  	[sflag:s10] =	ssyncset.done $0x0  }
0x82: {  	[sflag:s10] =	ssyncadd.s32 $0xFFFFC000  }
0x83: {  	[tilespmem:s29], [sflag:$0x1] =	stream.indirect.gather [hbm4b:s1+s28], $0x80, s4, s28, $0xb8;
	[tilespmem:$0x1FE80] =	vst v63  }
0x84: {  	_ =	swait.ge [sflag:s11], $0x4000  }
0x85: {  	[sflag:s11] =	ssyncset.done $0x0  }
0x86: {  	s12 =	rddreg [dreg:$0x6];
	[sflag:s11] =	ssyncadd.s32 $0xFFFFC000  }
0x87: {  	[spmem:s2] =	stream.indirect.scatter.add.f32 [tilespmem:s31], [sflag:$0xB], $0x80, s19, s28, $0xb8;
	[tilespmem:$0x1FE80] =	vst v63  }
0x88: {  	s5 =	sadd.s32 $0x0, s12  }
0x89: {  	[tilespmem:s24], [sflag:$0x8] =	stream.linear.gather [hbm4b:s5+s4], $0x100, $0x38;
	[tilespmem:$0x1FE80] =	vst v63  }
0x8a: {  	_ =	swait.ge [sflag:s30], $0x100  }
0x8b: {  	[sflag:s30] =	ssyncset.done $0x0  }
0x8c: {  	[sflag:s30] =	ssyncadd.s32 $0xFFFFFF00  }
0x8d: {  	_ =	swait.ge [sflag:s14], $0x4000  }
0x8e: {  	[sflag:s14] =	ssyncset.done $0x0  }
0x8f: {  	[sflag:s14] =	ssyncadd.s32 $0xFFFFC000  }
0x90: {  	[tilespmem:s31], [sflag:$0x2] =	stream.indirect.gather [hbm4b:s1+s28], $0x80, s21, s28, $0xb8;
	[tilespmem:$0x1FE80] =	vst v63  }
0x91: {  	_ =	swait.ge [sflag:s7], $0x4000  }
0x92: {  	[sflag:s7] =	ssyncset.done $0x0  }
0x93: {  	s15 =	rddreg [dreg:$0x5];
	[sflag:s7] =	ssyncadd.s32 $0xFFFFC000  }
0x94: {  	[spmem:s2] =	stream.indirect.scatter.add.f32 [tilespmem:s3], [sflag:$0xC], $0x80, s20, s28, $0xb8;
	[tilespmem:$0x1FE80] =	vst v63  }
0x95: {  	s5 =	sadd.s32 $0x0, s15  }
0x96: {  	[tilespmem:s25], [sflag:$0x9] =	stream.linear.gather [hbm4b:s5+s4], $0x100, $0x38;
	[tilespmem:$0x1FE80] =	vst v63  }
0x97: {  	_ =	swait.ge [sflag:s0], $0x100  }
0x98: {  	[sflag:s0] =	ssyncset.done $0x0  }
0x99: {  	[sflag:s0] =	ssyncadd.s32 $0xFFFFFF00  }
0x9a: {  	_ =	swait.ge [sflag:s17], $0x4000  }
0x9b: {  	[sflag:s17] =	ssyncset.done $0x0  }
0x9c: {  	s8 =	simm.s32 $0xC0;
	[sflag:s17] =	ssyncadd.s32 $0xFFFFC000  }
.LBB2_2:
0x9d: {  	[tilespmem:s3], [sflag:$0x3] =	stream.indirect.gather [hbm4b:s1+s28], $0x80, s22, s28, $0xb8;
	[tilespmem:$0x1FE80] =	vst v63  }
0x9e: {  	_ =	swait.ge [sflag:s6], $0x4000  }
0x9f: {  	[sflag:s6] =	ssyncset.done $0x0  }
0xa0: {  	s5 =	smov.u32 s8;
	s12 =	rddreg [dreg:$0xa];
	[sflag:s6] =	ssyncadd.s32 $0xFFFFC000  }
0xa1: {  	[spmem:s2] =	stream.indirect.scatter.add.f32 [tilespmem:s29], [sflag:$0xA], $0x80, s28, s28, $0xb8;
	[tilespmem:$0x1FE80] =	vst v63  }
0xa2: {  	s12 =	sadd.s32 s5, s12  }
0xa3: {  	[tilespmem:s4], [sflag:$0x4] =	stream.linear.gather [hbm4b:s12+s4], $0x100, $0x38;
	[tilespmem:$0x1FE80] =	vst v63  }
0xa4: {  	_ =	swait.ge [sflag:s9], $0x100  }
0xa5: {  	[sflag:s9] =	ssyncset.done $0x0  }
0xa6: {  	[sflag:s9] =	ssyncadd.s32 $0xFFFFFF00  }
0xa7: {  	_ =	swait.ge [sflag:s10], $0x4000  }
0xa8: {  	[sflag:s10] =	ssyncset.done $0x0  }
0xa9: {  	[sflag:s10] =	ssyncadd.s32 $0xFFFFC000  }
0xaa: {  	[tilespmem:s29], [sflag:$0x1] =	stream.indirect.gather [hbm4b:s1+s28], $0x80, s23, s28, $0xb8;
	[tilespmem:$0x1FE80] =	vst v63  }
0xab: {  	_ =	swait.ge [sflag:s11], $0x4000  }
0xac: {  	[sflag:s11] =	ssyncset.done $0x0  }
0xad: {  	s15 =	simm.s32 $0x180;
	s12 =	rddreg [dreg:$0x9];
	[sflag:s11] =	ssyncadd.s32 $0xFFFFC000  }
0xae: {  	[spmem:s2] =	stream.indirect.scatter.add.f32 [tilespmem:s31], [sflag:$0xB], $0x80, s15, s28, $0xb8;
	[tilespmem:$0x1FE80] =	vst v63  }
0xaf: {  	s12 =	sadd.s32 s5, s12  }
0xb0: {  	[tilespmem:s21], [sflag:$0x5] =	stream.linear.gather [hbm4b:s12+s4], $0x100, $0x38;
	[tilespmem:$0x1FE80] =	vst v63  }
0xb1: {  	_ =	swait.ge [sflag:s13], $0x100  }
0xb2: {  	[sflag:s13] =	ssyncset.done $0x0  }
0xb3: {  	[sflag:s13] =	ssyncadd.s32 $0xFFFFFF00  }
0xb4: {  	_ =	swait.ge [sflag:s14], $0x4000  }
0xb5: {  	[sflag:s14] =	ssyncset.done $0x0  }
0xb6: {  	[sflag:s14] =	ssyncadd.s32 $0xFFFFC000  }
0xb7: {  	[tilespmem:s31], [sflag:$0x2] =	stream.indirect.gather [hbm4b:s1+s28], $0x80, s24, s28, $0xb8;
	[tilespmem:$0x1FE80] =	vst v63  }
0xb8: {  	_ =	swait.ge [sflag:s7], $0x4000  }
0xb9: {  	[sflag:s7] =	ssyncset.done $0x0  }
0xba: {  	s15 =	simm.s32 $0x280;
	s12 =	rddreg [dreg:$0x8];
	[sflag:s7] =	ssyncadd.s32 $0xFFFFC000  }
0xbb: {  	[spmem:s2] =	stream.indirect.scatter.add.f32 [tilespmem:s3], [sflag:$0xC], $0x80, s15, s28, $0xb8;
	[tilespmem:$0x1FE80] =	vst v63  }
0xbc: {  	s12 =	sadd.s32 s5, s12  }
0xbd: {  	[tilespmem:s22], [sflag:$0x6] =	stream.linear.gather [hbm4b:s12+s4], $0x100, $0x38;
	[tilespmem:$0x1FE80] =	vst v63  }
0xbe: {  	_ =	swait.ge [sflag:s16], $0x100  }
0xbf: {  	[sflag:s16] =	ssyncset.done $0x0  }
0xc0: {  	[sflag:s16] =	ssyncadd.s32 $0xFFFFFF00  }
0xc1: {  	_ =	swait.ge [sflag:s17], $0x4000  }
0xc2: {  	[sflag:s17] =	ssyncset.done $0x0  }
0xc3: {  	[sflag:s17] =	ssyncadd.s32 $0xFFFFC000  }
0xc4: {  	[tilespmem:s3], [sflag:$0x3] =	stream.indirect.gather [hbm4b:s1+s28], $0x80, s25, s28, $0xb8;
	[tilespmem:$0x1FE80] =	vst v63  }
0xc5: {  	_ =	swait.ge [sflag:s6], $0x4000  }
0xc6: {  	[sflag:s6] =	ssyncset.done $0x0  }
0xc7: {  	s15 =	rddreg [dreg:$0x7];
	[sflag:s6] =	ssyncadd.s32 $0xFFFFC000  }
0xc8: {  	[spmem:s2] =	stream.indirect.scatter.add.f32 [tilespmem:s29], [sflag:$0xA], $0x80, s18, s28, $0xb8;
	[tilespmem:$0x1FE80] =	vst v63  }
0xc9: {  	s12 =	sadd.s32 s5, s15  }
0xca: {  	[tilespmem:s23], [sflag:$0x7] =	stream.linear.gather [hbm4b:s12+s4], $0x100, $0x38;
	[tilespmem:$0x1FE80] =	vst v63  }
0xcb: {  	_ =	swait.ge [sflag:s26], $0x100  }
0xcc: {  	[sflag:s26] =	ssyncset.done $0x0  }
0xcd: {  	[sflag:s26] =	ssyncadd.s32 $0xFFFFFF00  }
0xce: {  	_ =	swait.ge [sflag:s10], $0x4000  }
0xcf: {  	[sflag:s10] =	ssyncset.done $0x0  }
0xd0: {  	[sflag:s10] =	ssyncadd.s32 $0xFFFFC000  }
0xd1: {  	[tilespmem:s29], [sflag:$0x1] =	stream.indirect.gather [hbm4b:s1+s28], $0x80, s4, s28, $0xb8;
	[tilespmem:$0x1FE80] =	vst v63  }
0xd2: {  	_ =	swait.ge [sflag:s11], $0x4000  }
0xd3: {  	[sflag:s11] =	ssyncset.done $0x0  }
0xd4: {  	s15 =	rddreg [dreg:$0x6];
	[sflag:s11] =	ssyncadd.s32 $0xFFFFC000  }
0xd5: {  	[spmem:s2] =	stream.indirect.scatter.add.f32 [tilespmem:s31], [sflag:$0xB], $0x80, s19, s28, $0xb8;
	[tilespmem:$0x1FE80] =	vst v63  }
0xd6: {  	s12 =	sadd.s32 s5, s15  }
0xd7: {  	[tilespmem:s24], [sflag:$0x8] =	stream.linear.gather [hbm4b:s12+s4], $0x100, $0x38;
	[tilespmem:$0x1FE80] =	vst v63  }
0xd8: {  	_ =	swait.ge [sflag:s30], $0x100  }
0xd9: {  	[sflag:s30] =	ssyncset.done $0x0  }
0xda: {  	[sflag:s30] =	ssyncadd.s32 $0xFFFFFF00  }
0xdb: {  	_ =	swait.ge [sflag:s14], $0x4000  }
0xdc: {  	[sflag:s14] =	ssyncset.done $0x0  }
0xdd: {  	[sflag:s14] =	ssyncadd.s32 $0xFFFFC000  }
0xde: {  	[tilespmem:s31], [sflag:$0x2] =	stream.indirect.gather [hbm4b:s1+s28], $0x80, s21, s28, $0xb8;
	[tilespmem:$0x1FE80] =	vst v63  }
0xdf: {  	_ =	swait.ge [sflag:s7], $0x4000  }
0xe0: {  	[sflag:s7] =	ssyncset.done $0x0  }
0xe1: {  	s15 =	rddreg [dreg:$0x5];
	[sflag:s7] =	ssyncadd.s32 $0xFFFFC000  }
0xe2: {  	[spmem:s2] =	stream.indirect.scatter.add.f32 [tilespmem:s3], [sflag:$0xC], $0x80, s20, s28, $0xb8;
	[tilespmem:$0x1FE80] =	vst v63  }
0xe3: {  	s5 =	sadd.s32 s5, s15  }
0xe4: {  	[tilespmem:s25], [sflag:$0x9] =	stream.linear.gather [hbm4b:s5+s4], $0x100, $0x38;
	[tilespmem:$0x1FE80] =	vst v63  }
0xe5: {  	p2 =	sne.s32 s8, $0x840;
	_ =	swait.ge [sflag:s0], $0x100  }
.Ltmp0:
0xe6: {  	[sflag:s0] =	ssyncset.done $0x0;
	(pc) =	sbr.rel @p2 .LBB2_2-.Ltmp0, $4  }
0xe7: {  	[sflag:s0] =	ssyncadd.s32 $0xFFFFFF00  }
0xe8: {  	_ =	swait.ge [sflag:s17], $0x4000  }
0xe9: {  	[sflag:s17] =	ssyncset.done $0x0  }
0xea: {  	s8 =	sadd.s32 $0xC0, s8;
	[sflag:s17] =	ssyncadd.s32 $0xFFFFC000  }
0xeb: {  	[tilespmem:s3], [sflag:$0x3] =	stream.indirect.gather [hbm4b:s1+s28], $0x80, s22, s28, $0xb8;
	[tilespmem:$0x1FE80] =	vst v63  }
0xec: {  	_ =	swait.ge [sflag:s6], $0x4000  }
0xed: {  	[sflag:s6] =	ssyncset.done $0x0  }
0xee: {  	[sflag:s6] =	ssyncadd.s32 $0xFFFFC000  }
0xef: {  	[spmem:s2] =	stream.indirect.scatter.add.f32 [tilespmem:s29], [sflag:$0xA], $0x80, s28, s28, $0xb8;
	[tilespmem:$0x1FE80] =	vst v63  }
0xf0: {  	_ =	swait.ge [sflag:s9], $0x100  }
0xf1: {  	[sflag:s9] =	ssyncset.done $0x0  }
0xf2: {  	[sflag:s9] =	ssyncadd.s32 $0xFFFFFF00  }
0xf3: {  	_ =	swait.ge [sflag:s10], $0x4000  }
0xf4: {  	[sflag:s10] =	ssyncset.done $0x0  }
0xf5: {  	[sflag:s10] =	ssyncadd.s32 $0xFFFFC000  }
0xf6: {  	[tilespmem:s29], [sflag:$0x1] =	stream.indirect.gather [hbm4b:s1+s28], $0x80, s23, s28, $0xb8;
	[tilespmem:$0x1FE80] =	vst v63  }
0xf7: {  	_ =	swait.ge [sflag:s11], $0x4000  }
0xf8: {  	[sflag:s11] =	ssyncset.done $0x0  }
0xf9: {  	s5 =	simm.s32 $0x180;
	[sflag:s11] =	ssyncadd.s32 $0xFFFFC000  }
0xfa: {  	[spmem:s2] =	stream.indirect.scatter.add.f32 [tilespmem:s31], [sflag:$0xB], $0x80, s5, s28, $0xb8;
	[tilespmem:$0x1FE80] =	vst v63  }
0xfb: {  	_ =	swait.ge [sflag:s13], $0x100  }
0xfc: {  	[sflag:s13] =	ssyncset.done $0x0  }
0xfd: {  	[sflag:s13] =	ssyncadd.s32 $0xFFFFFF00  }
0xfe: {  	_ =	swait.ge [sflag:s14], $0x4000  }
0xff: {  	[sflag:s14] =	ssyncset.done $0x0  }
0x100: {  	[sflag:s14] =	ssyncadd.s32 $0xFFFFC000  }
0x101: {  	[tilespmem:s31], [sflag:$0x2] =	stream.indirect.gather [hbm4b:s1+s28], $0x80, s24, s28, $0xb8;
	[tilespmem:$0x1FE80] =	vst v63  }
0x102: {  	_ =	swait.ge [sflag:s7], $0x4000  }
0x103: {  	[sflag:s7] =	ssyncset.done $0x0  }
0x104: {  	s15 =	simm.s32 $0x280;
	[sflag:s7] =	ssyncadd.s32 $0xFFFFC000  }
0x105: {  	[spmem:s2] =	stream.indirect.scatter.add.f32 [tilespmem:s3], [sflag:$0xC], $0x80, s15, s28, $0xb8;
	[tilespmem:$0x1FE80] =	vst v63  }
0x106: {  	_ =	swait.ge [sflag:s16], $0x100  }
0x107: {  	[sflag:s16] =	ssyncset.done $0x0  }
0x108: {  	[sflag:s16] =	ssyncadd.s32 $0xFFFFFF00  }
0x109: {  	_ =	swait.ge [sflag:s17], $0x4000  }
0x10a: {  	[sflag:s17] =	ssyncset.done $0x0  }
0x10b: {  	[sflag:s17] =	ssyncadd.s32 $0xFFFFC000  }
0x10c: {  	[tilespmem:s3], [sflag:$0x3] =	stream.indirect.gather [hbm4b:s1+s28], $0x80, s25, s28, $0xb8;
	[tilespmem:$0x1FE80] =	vst v63  }
0x10d: {  	_ =	swait.ge [sflag:s6], $0x4000  }
0x10e: {  	[sflag:s6] =	ssyncset.done $0x0  }
0x10f: {  	[sflag:s6] =	ssyncadd.s32 $0xFFFFC000  }
0x110: {  	[spmem:s2] =	stream.indirect.scatter.add.f32 [tilespmem:s29], [sflag:$0xA], $0x80, s18, s28, $0xb8;
	[tilespmem:$0x1FE80] =	vst v63  }
0x111: {  	_ =	swait.ge [sflag:s10], $0x4000  }
0x112: {  	[sflag:s10] =	ssyncset.done $0x0  }
0x113: {  	[sflag:s10] =	ssyncadd.s32 $0xFFFFC000  }
0x114: {  	_ =	swait.ge [sflag:s11], $0x4000  }
0x115: {  	[sflag:s11] =	ssyncset.done $0x0  }
0x116: {  	[sflag:s11] =	ssyncadd.s32 $0xFFFFC000  }
0x117: {  	[spmem:s2] =	stream.indirect.scatter.add.f32 [tilespmem:s31], [sflag:$0xB], $0x80, s19, s28, $0xb8;
	[tilespmem:$0x1FE80] =	vst v63  }
0x118: {  	_ =	swait.ge [sflag:s14], $0x4000  }
0x119: {  	[sflag:s14] =	ssyncset.done $0x0  }
0x11a: {  	[sflag:s14] =	ssyncadd.s32 $0xFFFFC000  }
0x11b: {  	_ =	swait.ge [sflag:s7], $0x4000  }
0x11c: {  	[sflag:s7] =	ssyncset.done $0x0  }
0x11d: {  	[sflag:s7] =	ssyncadd.s32 $0xFFFFC000  }
0x11e: {  	[spmem:s2] =	stream.indirect.scatter.add.f32 [tilespmem:s3], [sflag:$0xC], $0x80, s20, s28, $0xb8;
	[tilespmem:$0x1FE80] =	vst v63  }
0x11f: {  	_ =	swait.ge [sflag:s17], $0x4000  }
0x120: {  	s8 =	simm.s32 @!p1 $0xE;
	[sflag:s17] =	ssyncset.done $0x0  }
0x121: {  	s15 =	simm.s32 @!p1 $0x0;
	s5 =	rddreg [dreg:$0x17];
	[sflag:s17] =	ssyncadd.s32 $0xFFFFC000  }
0x122: {  	[tilespmem:s15], [sflag:$0xE] =	stream.linear.gather @!p1 [hbm4b:s5+s15], $0x100, $0x38;
	[tilespmem:$0x1FE80] =	vst v63  }
0x123: {  	_ =	swait.ge @!p1 [sflag:s8], $0x100  }
0x124: {  	[sflag:s8] =	ssyncset.done @!p1 $0x0  }
0x125: {  	s12 =	simm.s32 @!p1 $0x600;
	s5 =	simm.s32 @!p1 $0x80;
	[sflag:s8] =	ssyncadd.s32 @!p1 $0xFFFFFF00  }
0x126: {  	[tilespmem:s12], [sflag:$0x1] =	stream.indirect.gather @!p1 [hbm4b:s1+s5], $0x80, s15, s5, $0xb8;
	[tilespmem:$0x1FE80] =	vst v63  }
0x127: {  	s5 =	simm.s32 @!p1 $0x1  }
0x128: {  	_ =	swait.ge @!p1 [sflag:s5], $0x4000  }
0x129: {  	[sflag:s5] =	ssyncset.done @!p1 $0x0  }
0x12a: {  	s15 =	simm.s32 @!p1 $0x80;
	[sflag:s5] =	ssyncadd.s32 @!p1 $0xFFFFC000  }
0x12b: {  	[spmem:s2] =	stream.indirect.scatter.add.f32 @!p1 [tilespmem:s12], [sflag:$0xE], $0x80, s15, s15, $0xb8;
	[tilespmem:$0x1FE80] =	vst v63  }
0x12c: {  	_ =	swait.ge @!p1 [sflag:s8], $0x4000  }
0x12d: {  	[sflag:s8] =	ssyncset.done @!p1 $0x0  }
0x12e: {  	[sflag:s8] =	ssyncadd.s32 @!p1 $0xFFFFC000  }
0x12f: {  	[bflag:$0x0] =	sbarrier.arrive $0xFFFF  }
0x130: {  	s8 =	rddreg [dreg:$0xd]  }
0x131: {  	s12 =	rddreg [dreg:$0x18]  }
0x132: {  	s15 =	rddreg [dreg:$0x1d];
	s5 =	sor.u32 $0x1C0E, s8  }
0x133: {  	[hbm:s12], [sflag:s5] =	dma.local [spmem:s15], $0x2700  }
0x134: {  	s15 =	simm.s32 $0xE  }
0x135: {  	_ =	swait.ge [sflag:s15], $0x2700  }
0x136: {  	[sflag:s15] =	ssyncset.done $0x0;
	s8 =	rddreg [dreg:$0x19]  }
0x137: {  	s12 =	rddreg [dreg:$0x1c];
	[sflag:s15] =	ssyncadd.s32 $0xFFFFD900  }
0x138: {  	[hbm:s8], [sflag:s5] =	dma.local @!p0 [spmem:s12], $0x100  }
0x139: {  	s5 =	simm.s32 @!p0 $0xE  }
0x13a: {  	_ =	swait.ge @!p0 [sflag:s5], $0x100  }
0x13b: {  	s8 =	rddreg [dreg:$0x1b]  }
0x13c: {  	s15 =	rddreg [dreg:$0x1a];
	s12 =	sadd.s32 $0x1, s8  }
0x13d: {  	p2 =	sne.s32 s12, s15  }
.Ltmp1:
0x13e: {  	_ = 	snop;
	(pc) =	sbr.rel @p2 .LBB2_1-.Ltmp1, $3  }
0x13f: {  	_ =	sdelay $0x1  }
0x140: {  	[sflag:s5] =	ssyncset.done @!p0 $0x0  }
0x141: {  	[sflag:s5] =	ssyncadd.s32 @!p0 $0xFFFFFF00  }
0x142: {  	_ =	sfence.sel $0x180000  }
0x143: {  	[bflag:$0x0] =	sbarrier.arrive $0xFFFF  }
0x144: {  	_ =	strace $0x90000047  }
0x145: {  	s0 =	stileid.u32;
	[bflag:$0x2] =	sbarrier.arrive $0xFFFF  }
0x146: {  	p0 =	sne.s32 s0, $0x0;
	s0 =	rddreg [dreg:$0x4]  }
0x147: {  	s0 =	sadd.s32 @!p0 $0x100000, s0  }
0x148: {  	[sflag:s0] =	ssyncadd.tile.s32 @!p0 $0x1;
	_ =	shalt  }
.Lfunc_end2:
_tile_overlayer_lowered:
.L_overlay_start_2:
0x149: {  	(tag) =	ssettag $0x2  }
0x14a: {  	s0 =	rddreg [dreg:$0x0];
	s2 =	stileid.u32  }
0x14b: {  	s1 =	rddreg [dreg:$0x1];
	p0 =	sne.s32 s2, $0x0  }
0x14c: {  	s3 =	rddreg [dreg:$0x2];
	[bflag:$0x3] =	sbarrier.arrive $0xFFFF;
	s2 =	simm.s32 @!p0 $0x1C0E  }
0x14d: {  	[timem:s3], [sflag:s2] =	dma.local @!p0 [hbm:s0], s1  }
0x14e: {  	s0 =	simm.s32 @!p0 $0xE  }
0x14f: {  	_ =	swait.ge @!p0 [sflag:s0], s1  }
0x150: {  	s1 =	ssub.s32 @!p0 $0x0, s1;
	[sflag:s0] =	ssyncset.done @!p0 $0x0  }
0x151: {  	[sflag:s0] =	ssyncadd.s32 @!p0 s1  }
0x152: {  	[bflag:$0x3] =	sbarrier.arrive $0xFFFF  }
0x153: {  	_ =	shalt  }

</sc_bundles>
